<compile_context>
chip_gen: v7x
topology: tpu7x:2x2x1
jax: 0.10.2.dev20260603
libtpu: 0.0.44.dev20260713+nightly
codegen_flags: <defaults>
</compile_context>

<pallas_src>
import jax
import jax.numpy as jnp
from jax import lax
from jax.experimental import pallas as pl
from jax.experimental.pallas import tpu as pltpu
from jax.experimental.pallas import tpu_sc as plsc

_SLEN = 4096
_BSZ = 4
_EMBED = 1024
_NW = 32
_SEQ_W = _SLEN // _NW
_ROWS_W = _SEQ_W * _BSZ
_CHUNK = 16
_NCHUNK = _ROWS_W // _CHUNK
_L = 16
_NBUF = 6
_LOOKAHEAD = 3


def _body(inp_t, inp16_t, weights, out, in_v, in16_v, pos_v, gbuf, sem, wsem):
    wid = lax.axis_index("s") * 2 + lax.axis_index("c")
    base = wid * _SEQ_W
    pltpu.sync_copy(inp16_t, in16_v)
    pltpu.sync_copy(inp_t.at[:, pl.ds(base, _SEQ_W)], in_v)
    iota = lax.iota(jnp.int32, _L)
    lowmask = jnp.full((_L,), 0xFFFF, jnp.int32)
    onev = jnp.full((_L,), 1, jnp.int32)
    sixteen = jnp.full((_L,), 16, jnp.int32)

    def pre(t, accs):
        o = t * 2 * _L
        new = []
        for b in range(_BSZ):
            x = plsc.bitcast(in16_v[pl.ds(b * _SLEN + o, 2 * _L)], jnp.int32)
            nz = (jnp.minimum(x & lowmask, onev)
                  + jnp.minimum(lax.shift_right_logical(x, sixteen), onev))
            new.append(accs[b] + nz)
        return tuple(new)

    accs = lax.fori_loop(0, wid * (_SEQ_W // (2 * _L)), pre,
                         (jnp.zeros((_L,), jnp.int32),) * _BSZ)
    for b in range(_BSZ):
        running = jnp.sum(accs[b])
        for t in range(_SEQ_W // _L):
            v = in_v[b, pl.ds(t * _L, _L)]
            m = (v != 0).astype(jnp.int32)
            pos = (running + plsc.cumsum(m)) * m
            running = running + jnp.sum(m)
            plsc.store_scatter(pos_v, [t * _L + iota, jnp.full((_L,), b,
                                                              jnp.int32)], pos)
    _SPC = _CHUNK // _BSZ

    def g_copies(j, s):
        return [
            pltpu.make_async_copy(weights.at[pos_v.at[j * _SPC + i]],
                                  gbuf.at[s, i], sem.at[s])
            for i in range(_SPC)
        ]

    def w_copy(j, s):
        return pltpu.make_async_copy(gbuf.at[s],
                                     out.at[pl.ds(base + j * _SPC, _SPC)],
                                     wsem.at[s])

    def step(j, carry):
        @pl.when(j < _NCHUNK)
        def _():
            s = lax.rem(j, _NBUF)

            @pl.when(j >= _NBUF)
            def _():
                w_copy(j - _NBUF, s).wait()
            for c in g_copies(j, s):
                c.start()

        @pl.when(j >= _LOOKAHEAD)
        def _():
            jd = j - _LOOKAHEAD
            sd = lax.rem(jd, _NBUF)
            for c in g_copies(jd, sd):
                c.wait()
            w_copy(jd, sd).start()
        return carry

    lax.fori_loop(0, _NCHUNK + _LOOKAHEAD, step, 0)
    for j in range(_NCHUNK - _NBUF, _NCHUNK):
        w_copy(j, j % _NBUF).wait()


@jax.jit
def _run(inp_t, inp16_t, weights):
    mesh = plsc.VectorSubcoreMesh(core_axis_name="c", subcore_axis_name="s")
    return pl.kernel(
        _body,
        out_type=jax.ShapeDtypeStruct((_SLEN, _BSZ, _EMBED), jnp.float32),
        mesh=mesh,
        scratch_types=[
            pltpu.VMEM((_BSZ, _SEQ_W), jnp.int32),
            pltpu.VMEM((_BSZ * _SLEN,), jnp.int16),
            pltpu.VMEM((_SEQ_W, _BSZ), jnp.int32),
            pltpu.VMEM((_NBUF, _CHUNK // _BSZ, _BSZ, _EMBED), jnp.float32),
            pltpu.SemaphoreType.DMA((_NBUF,)),
            pltpu.SemaphoreType.DMA((_NBUF,)),
        ],
        compiler_params=pltpu.CompilerParams(needs_layout_passes=False),
    )(inp_t, inp16_t, weights)


def kernel(input, weights):
    inp_t = input.T
    return _run(inp_t, inp_t.astype(jnp.int16).reshape(-1), weights)

# --- scband reference (transcript-rebuilt; emitter-appended) ---
"""Pipeline reference for scband-sinusoidal-positional-embedding-14190571946300 (READ-ONLY COPY).

The authoritative reference and input builder live on the scoring server;
editing this copy changes nothing except your own understanding.
"""

import math
import jax, jax.numpy as jnp
import numpy as np

EMBED_DIM = 1024
PAD_IDX = 0
INIT_SIZE = 8192
SLEN = 4096
BSZ = 4


def _get_embedding(num_emb, embed_dim, pad_idx):
    half_dim = embed_dim // 2
    scale = math.log(10000) / (half_dim - 1)
    emb = np.exp(np.arange(half_dim, dtype=np.float32) * -scale)
    emb = np.arange(num_emb, dtype=np.float32)[:, None] * emb[None, :]
    emb = np.concatenate([np.sin(emb), np.cos(emb)], axis=1).reshape(num_emb, -1)
    if embed_dim % 2 == 1:
        emb = np.concatenate([emb, np.zeros((num_emb, 1), dtype=np.float32)], axis=1)
    if pad_idx is not None:
        emb[pad_idx, :] = 0.0
    return jnp.asarray(emb, dtype=jnp.float32)


def setup_inputs(seed: int = 0) -> dict:
    key = jax.random.key(seed)
    k1, _ = jax.random.split(key)
    input_ids = jax.random.randint(k1, (SLEN, BSZ), 0, 32000, dtype=jnp.int32)
    weights = _get_embedding(INIT_SIZE, EMBED_DIM, PAD_IDX)
    return {"input": input_ids, "weights": weights}


def reference(input, weights):
    # make_positions: cumsum of non-pad mask along seq dim (dim=0), masked, offset by pad_idx
    mask = (input != PAD_IDX).astype(jnp.int32)
    positions = jnp.cumsum(mask, axis=0) * mask + PAD_IDX
    slen, bsz = input.shape
    flat_pos = positions.reshape(-1)
    out = jnp.take(weights, flat_pos, axis=0)
    return out.reshape(slen, bsz, -1)

if __name__ == "__main__":
    import jax
    _d = setup_inputs()
    print(jax.jit(kernel)(*tuple(_d.values())))

</pallas_src>

<mosaic_0001>
#map = affine_map<(d0, d1) -> (0, 0)>
#map1 = affine_map<(d0, d1) -> (0)>
#map2 = affine_map<(d0, d1) -> (0, 0, 0)>
module attributes {stable_mosaic.version = 14 : i64} {
  func.func @_body(%arg0: i32, %arg1: i32, %arg2: memref<4x4096xi32, #tpu.memory_space<hbm>>, %arg3: memref<16384xi16, #tpu.memory_space<hbm>>, %arg4: memref<8192x1024xf32, #tpu.memory_space<hbm>>, %arg5: memref<4096x4x1024xf32, #tpu.memory_space<hbm>>, %arg6: memref<4x128xi32, #tpu.memory_space<vmem>>, %arg7: memref<16384xi16, #tpu.memory_space<vmem>>, %arg8: memref<128x4xi32, #tpu.memory_space<vmem>>, %arg9: memref<6x4x4x1024xf32, #tpu.memory_space<vmem>>, %arg10: memref<6x!tpu.dma_semaphore, #tpu.memory_space<semaphore_mem>>, %arg11: memref<6x!tpu.dma_semaphore, #tpu.memory_space<semaphore_mem>>) attributes {dimension_semantics = [#tpu.dimension_semantics<core_parallel>, #tpu.dimension_semantics<subcore_parallel>], iteration_bounds = array<i64: 2, 16>, scalar_prefetch = 0 : i64, scratch_operands = 6 : i64, tpu.core_type = #tpu.core_type<sc_vector_subcore>, window_params = [{transform_indices = #map}, {transform_indices = #map1}, {transform_indices = #map}, {transform_indices = #map2}]} {
    %mul3A = arith.constant 2 : i32
    %mul3A_0 = arith.muli %arg1, %mul3A : i32
    %add3A = arith.addi %mul3A_0, %arg0 : i32
    %mul3A_1 = arith.constant 128 : i32
    %mul3A_2 = arith.muli %add3A, %mul3A_1 : i32
    "tpu.region"() ({
      %run_scoped3A = tpu.sem_alloc : memref<!tpu.dma_semaphore, #tpu.memory_space<semaphore_mem>>
      tpu.enqueue_dma source(%arg3 : memref<16384xi16, #tpu.memory_space<hbm>>) target(%arg7 : memref<16384xi16, #tpu.memory_space<vmem>>) target_semaphore(%run_scoped3A : memref<!tpu.dma_semaphore, #tpu.memory_space<semaphore_mem>>)
      tpu.wait_dma2 semaphore(%run_scoped3A : memref<!tpu.dma_semaphore, #tpu.memory_space<semaphore_mem>>) src(%arg3 : memref<16384xi16, #tpu.memory_space<hbm>>) dst(%arg7 : memref<16384xi16, #tpu.memory_space<vmem>>)
      tpu.yield
    }) : () -> ()
    "tpu.region"() ({
      %run_scoped3A = tpu.sem_alloc : memref<!tpu.dma_semaphore, #tpu.memory_space<semaphore_mem>>
      %dma_start3A = arith.constant 0 : i32
      %dma_start3A_937 = tpu.memref_slice %arg2[%dma_start3A, %mul3A_2] : memref<4x4096xi32, #tpu.memory_space<hbm>> -> memref<4x128xi32, #tpu.memory_space<hbm>>
      %dma_start3A_938 = arith.constant 0 : i32
      %dma_start3A_939 = tpu.memref_slice %arg2[%dma_start3A_938, %mul3A_2] : memref<4x4096xi32, #tpu.memory_space<hbm>> -> memref<4x128xi32, #tpu.memory_space<hbm>>
      tpu.enqueue_dma source(%dma_start3A_939 : memref<4x128xi32, #tpu.memory_space<hbm>>) target(%arg6 : memref<4x128xi32, #tpu.memory_space<vmem>>) target_semaphore(%run_scoped3A : memref<!tpu.dma_semaphore, #tpu.memory_space<semaphore_mem>>)
      %dma_wait3A_940 = arith.constant 0 : i32
      %dma_wait3A_941 = tpu.memref_slice %arg2[%dma_wait3A_940, %mul3A_2] : memref<4x4096xi32, #tpu.memory_space<hbm>> -> memref<4x128xi32, #tpu.memory_space<hbm>>
      %dma_wait3A_942 = arith.constant 0 : i32
      %dma_wait3A_943 = tpu.memref_slice %arg2[%dma_wait3A_942, %mul3A_2] : memref<4x4096xi32, #tpu.memory_space<hbm>> -> memref<4x128xi32, #tpu.memory_space<hbm>>
      tpu.wait_dma2 semaphore(%run_scoped3A : memref<!tpu.dma_semaphore, #tpu.memory_space<semaphore_mem>>) src(%dma_wait3A_943 : memref<4x128xi32, #tpu.memory_space<hbm>>) dst(%arg6 : memref<4x128xi32, #tpu.memory_space<vmem>>)
      tpu.yield
    }) : () -> ()
    %iota3A = tpu.iota {dimensions = array<i32: 0>} : vector<16xi32>
    %broadcast_in_dim3A = arith.constant 65535 : i32
    %broadcast_in_dim3A_3 = vector.broadcast %broadcast_in_dim3A : i32 to vector<16xi32>
    %broadcast_in_dim3A_4 = arith.constant 1 : i32
    %broadcast_in_dim3A_5 = vector.broadcast %broadcast_in_dim3A_4 : i32 to vector<16xi32>
    %broadcast_in_dim3A_6 = arith.constant 16 : i32
    %broadcast_in_dim3A_7 = vector.broadcast %broadcast_in_dim3A_6 : i32 to vector<16xi32>
    %mul3A_8 = arith.constant 4 : i32
    %mul3A_9 = arith.muli %add3A, %mul3A_8 : i32
    %broadcast_in_dim3A_10 = arith.constant 0 : i32
    %broadcast_in_dim3A_11 = vector.broadcast %broadcast_in_dim3A_10 : i32 to vector<16xi32>
    %while3A = arith.constant 0 : i32
    %while3A_12 = arith.subi %mul3A_9, %while3A : i32
    %while3A_13 = arith.addi %while3A, %while3A_12 : i32
    %while3A_14 = arith.constant 1 : i32
    %while3A_15 = arith.divsi %while3A_12, %while3A_14 : i32
    %while3A_16 = arith.muli %while3A_15, %while3A_14 : i32
    %while3A_17 = arith.addi %while3A, %while3A_16 : i32
    %while3A_18 = arith.constant 1 : i32
    %while3A_19:4 = scf.for %while3A_937 = %while3A to %while3A_17 step %while3A_18 iter_args(%while3A_938 = %broadcast_in_dim3A_11, %while3A_939 = %broadcast_in_dim3A_11, %while3A_940 = %broadcast_in_dim3A_11, %while3A_941 = %broadcast_in_dim3A_11) -> (vector<16xi32>, vector<16xi32>, vector<16xi32>, vector<16xi32>)  : i32 {
      %mul3A_942 = arith.constant 2 : i32
      %mul3A_943 = arith.muli %while3A_937, %mul3A_942 : i32
      %mul3A_944 = arith.constant 16 : i32
      %mul3A_945 = arith.muli %mul3A_943, %mul3A_944 : i32
      %add3A_946 = arith.constant 0 : i32
      %add3A_947 = arith.addi %add3A_946, %mul3A_945 : i32
      %get3A_948 = arith.index_cast %add3A_947 : i32 to index
      %get3A_949 = tpu.vector_load %arg7[%get3A_948] {strides = array<i32>} : memref<16384xi16, #tpu.memory_space<vmem>>, vector<32xi16>,
      %bitcast3A = vector.bitcast %get3A_949 : vector<32xi16> to vector<16xi32>
      %and3A = arith.andi %bitcast3A, %broadcast_in_dim3A_3 : vector<16xi32>
      %min3A = arith.minsi %and3A, %broadcast_in_dim3A_5 : vector<16xi32>
      %shift_right_logical3A = arith.shrui %bitcast3A, %broadcast_in_dim3A_7 : vector<16xi32>
      %min3A_950 = arith.minsi %shift_right_logical3A, %broadcast_in_dim3A_5 : vector<16xi32>
      %add3A_951 = arith.addi %min3A, %min3A_950 : vector<16xi32>
      %add3A_952 = arith.addi %while3A_938, %add3A_951 : vector<16xi32>
      %add3A_953 = arith.constant 4096 : i32
      %add3A_954 = arith.addi %add3A_953, %mul3A_945 : i32
      %get3A_955 = arith.index_cast %add3A_954 : i32 to index
      %get3A_956 = tpu.vector_load %arg7[%get3A_955] {strides = array<i32>} : memref<16384xi16, #tpu.memory_space<vmem>>, vector<32xi16>,
      %bitcast3A_957 = vector.bitcast %get3A_956 : vector<32xi16> to vector<16xi32>
      %and3A_958 = arith.andi %bitcast3A_957, %broadcast_in_dim3A_3 : vector<16xi32>
      %min3A_959 = arith.minsi %and3A_958, %broadcast_in_dim3A_5 : vector<16xi32>
      %shift_right_logical3A_960 = arith.shrui %bitcast3A_957, %broadcast_in_dim3A_7 : vector<16xi32>
      %min3A_961 = arith.minsi %shift_right_logical3A_960, %broadcast_in_dim3A_5 : vector<16xi32>
      %add3A_962 = arith.addi %min3A_959, %min3A_961 : vector<16xi32>
      %add3A_963 = arith.addi %while3A_939, %add3A_962 : vector<16xi32>
      %add3A_964 = arith.constant 8192 : i32
      %add3A_965 = arith.addi %add3A_964, %mul3A_945 : i32
      %get3A_966 = arith.index_cast %add3A_965 : i32 to index
      %get3A_967 = tpu.vector_load %arg7[%get3A_966] {strides = array<i32>} : memref<16384xi16, #tpu.memory_space<vmem>>, vector<32xi16>,
      %bitcast3A_968 = vector.bitcast %get3A_967 : vector<32xi16> to vector<16xi32>
      %and3A_969 = arith.andi %bitcast3A_968, %broadcast_in_dim3A_3 : vector<16xi32>
      %min3A_970 = arith.minsi %and3A_969, %broadcast_in_dim3A_5 : vector<16xi32>
      %shift_right_logical3A_971 = arith.shrui %bitcast3A_968, %broadcast_in_dim3A_7 : vector<16xi32>
      %min3A_972 = arith.minsi %shift_right_logical3A_971, %broadcast_in_dim3A_5 : vector<16xi32>
      %add3A_973 = arith.addi %min3A_970, %min3A_972 : vector<16xi32>
      %add3A_974 = arith.addi %while3A_940, %add3A_973 : vector<16xi32>
      %add3A_975 = arith.constant 12288 : i32
      %add3A_976 = arith.addi %add3A_975, %mul3A_945 : i32
      %get3A_977 = arith.index_cast %add3A_976 : i32 to index
      %get3A_978 = tpu.vector_load %arg7[%get3A_977] {strides = array<i32>} : memref<16384xi16, #tpu.memory_space<vmem>>, vector<32xi16>,
      %bitcast3A_979 = vector.bitcast %get3A_978 : vector<32xi16> to vector<16xi32>
      %and3A_980 = arith.andi %bitcast3A_979, %broadcast_in_dim3A_3 : vector<16xi32>
      %min3A_981 = arith.minsi %and3A_980, %broadcast_in_dim3A_5 : vector<16xi32>
      %shift_right_logical3A_982 = arith.shrui %bitcast3A_979, %broadcast_in_dim3A_7 : vector<16xi32>
      %min3A_983 = arith.minsi %shift_right_logical3A_982, %broadcast_in_dim3A_5 : vector<16xi32>
      %add3A_984 = arith.addi %min3A_981, %min3A_983 : vector<16xi32>
      %add3A_985 = arith.addi %while3A_941, %add3A_984 : vector<16xi32>
      scf.yield %add3A_952, %add3A_963, %add3A_974, %add3A_985 : vector<16xi32>, vector<16xi32>, vector<16xi32>, vector<16xi32>
    }
    %while3A_20 = arith.constant 1 : i32
    %while3A_21:4 = scf.for %while3A_937 = %while3A_17 to %while3A_13 step %while3A_20 iter_args(%while3A_938 = %while3A_19#0, %while3A_939 = %while3A_19#1, %while3A_940 = %while3A_19#2, %while3A_941 = %while3A_19#3) -> (vector<16xi32>, vector<16xi32>, vector<16xi32>, vector<16xi32>)  : i32 {
      %mul3A_942 = arith.constant 2 : i32
      %mul3A_943 = arith.muli %while3A_937, %mul3A_942 : i32
      %mul3A_944 = arith.constant 16 : i32
      %mul3A_945 = arith.muli %mul3A_943, %mul3A_944 : i32
      %add3A_946 = arith.constant 0 : i32
      %add3A_947 = arith.addi %add3A_946, %mul3A_945 : i32
      %get3A_948 = arith.index_cast %add3A_947 : i32 to index
      %get3A_949 = tpu.vector_load %arg7[%get3A_948] {strides = array<i32>} : memref<16384xi16, #tpu.memory_space<vmem>>, vector<32xi16>,
      %bitcast3A = vector.bitcast %get3A_949 : vector<32xi16> to vector<16xi32>
      %and3A = arith.andi %bitcast3A, %broadcast_in_dim3A_3 : vector<16xi32>
      %min3A = arith.minsi %and3A, %broadcast_in_dim3A_5 : vector<16xi32>
      %shift_right_logical3A = arith.shrui %bitcast3A, %broadcast_in_dim3A_7 : vector<16xi32>
      %min3A_950 = arith.minsi %shift_right_logical3A, %broadcast_in_dim3A_5 : vector<16xi32>
      %add3A_951 = arith.addi %min3A, %min3A_950 : vector<16xi32>
      %add3A_952 = arith.addi %while3A_938, %add3A_951 : vector<16xi32>
      %add3A_953 = arith.constant 4096 : i32
      %add3A_954 = arith.addi %add3A_953, %mul3A_945 : i32
      %get3A_955 = arith.index_cast %add3A_954 : i32 to index
      %get3A_956 = tpu.vector_load %arg7[%get3A_955] {strides = array<i32>} : memref<16384xi16, #tpu.memory_space<vmem>>, vector<32xi16>,
      %bitcast3A_957 = vector.bitcast %get3A_956 : vector<32xi16> to vector<16xi32>
      %and3A_958 = arith.andi %bitcast3A_957, %broadcast_in_dim3A_3 : vector<16xi32>
      %min3A_959 = arith.minsi %and3A_958, %broadcast_in_dim3A_5 : vector<16xi32>
      %shift_right_logical3A_960 = arith.shrui %bitcast3A_957, %broadcast_in_dim3A_7 : vector<16xi32>
      %min3A_961 = arith.minsi %shift_right_logical3A_960, %broadcast_in_dim3A_5 : vector<16xi32>
      %add3A_962 = arith.addi %min3A_959, %min3A_961 : vector<16xi32>
      %add3A_963 = arith.addi %while3A_939, %add3A_962 : vector<16xi32>
      %add3A_964 = arith.constant 8192 : i32
      %add3A_965 = arith.addi %add3A_964, %mul3A_945 : i32
      %get3A_966 = arith.index_cast %add3A_965 : i32 to index
      %get3A_967 = tpu.vector_load %arg7[%get3A_966] {strides = array<i32>} : memref<16384xi16, #tpu.memory_space<vmem>>, vector<32xi16>,
      %bitcast3A_968 = vector.bitcast %get3A_967 : vector<32xi16> to vector<16xi32>
      %and3A_969 = arith.andi %bitcast3A_968, %broadcast_in_dim3A_3 : vector<16xi32>
      %min3A_970 = arith.minsi %and3A_969, %broadcast_in_dim3A_5 : vector<16xi32>
      %shift_right_logical3A_971 = arith.shrui %bitcast3A_968, %broadcast_in_dim3A_7 : vector<16xi32>
      %min3A_972 = arith.minsi %shift_right_logical3A_971, %broadcast_in_dim3A_5 : vector<16xi32>
      %add3A_973 = arith.addi %min3A_970, %min3A_972 : vector<16xi32>
      %add3A_974 = arith.addi %while3A_940, %add3A_973 : vector<16xi32>
      %add3A_975 = arith.constant 12288 : i32
      %add3A_976 = arith.addi %add3A_975, %mul3A_945 : i32
      %get3A_977 = arith.index_cast %add3A_976 : i32 to index
      %get3A_978 = tpu.vector_load %arg7[%get3A_977] {strides = array<i32>} : memref<16384xi16, #tpu.memory_space<vmem>>, vector<32xi16>,
      %bitcast3A_979 = vector.bitcast %get3A_978 : vector<32xi16> to vector<16xi32>
      %and3A_980 = arith.andi %bitcast3A_979, %broadcast_in_dim3A_3 : vector<16xi32>
      %min3A_981 = arith.minsi %and3A_980, %broadcast_in_dim3A_5 : vector<16xi32>
      %shift_right_logical3A_982 = arith.shrui %bitcast3A_979, %broadcast_in_dim3A_7 : vector<16xi32>
      %min3A_983 = arith.minsi %shift_right_logical3A_982, %broadcast_in_dim3A_5 : vector<16xi32>
      %add3A_984 = arith.addi %min3A_981, %min3A_983 : vector<16xi32>
      %add3A_985 = arith.addi %while3A_941, %add3A_984 : vector<16xi32>
      scf.yield %add3A_952, %add3A_963, %add3A_974, %add3A_985 : vector<16xi32>, vector<16xi32>, vector<16xi32>, vector<16xi32>
    }
    %reduce_sum3A = arith.constant true
    %reduce_sum3A_22 = vector.broadcast %reduce_sum3A : i1 to vector<16xi1>
    %reduce_sum3A_23 = tpu.scan <sum>, %while3A_21#0 masked %reduce_sum3A_22 : vector<16xi32>, vector<16xi1> -> vector<16xi32>
    %reduce_sum3A_24 = vector.extract %reduce_sum3A_23[15] : i32 from vector<16xi32>
    %get3A = arith.constant 0 : i32
    %get3A_25 = arith.index_cast %get3A : i32 to index
    %get3A_26 = arith.constant 0 : index
    %get3A_27 = tpu.vector_load %arg6[%get3A_25, %get3A_26] {strides = array<i32>} : memref<4x128xi32, #tpu.memory_space<vmem>>, vector<16xi32>,
    %ne3A = arith.constant 0 : i32
    %ne3A_28 = vector.broadcast %ne3A : i32 to vector<16xi32>
    %ne3A_29 = arith.cmpi ne, %get3A_27, %ne3A_28 : vector<16xi32>
    %convert_element_type3A = arith.extui %ne3A_29 : vector<16xi1> to vector<16xi32>
    %broadcast_in_dim3A_30 = arith.constant true
    %broadcast_in_dim3A_31 = vector.broadcast %broadcast_in_dim3A_30 : i1 to vector<16xi1>
    %masked_cumsum3A = tpu.scan <sum>, %convert_element_type3A masked %broadcast_in_dim3A_31 : vector<16xi32>, vector<16xi1> -> vector<16xi32>
    %add3A_32 = vector.broadcast %reduce_sum3A_24 : i32 to vector<16xi32>
    %add3A_33 = arith.addi %add3A_32, %masked_cumsum3A : vector<16xi32>
    %mul3A_34 = arith.muli %add3A_33, %convert_element_type3A : vector<16xi32>
    %reduce_sum3A_35 = arith.constant true
    %reduce_sum3A_36 = vector.broadcast %reduce_sum3A_35 : i1 to vector<16xi1>
    %reduce_sum3A_37 = tpu.scan <sum>, %convert_element_type3A masked %reduce_sum3A_36 : vector<16xi32>, vector<16xi1> -> vector<16xi32>
    %reduce_sum3A_38 = vector.extract %reduce_sum3A_37[15] : i32 from vector<16xi32>
    %add3A_39 = arith.addi %reduce_sum3A_24, %reduce_sum3A_38 : i32
    %add3A_40 = arith.constant 0 : i32
    %add3A_41 = vector.broadcast %add3A_40 : i32 to vector<16xi32>
    %add3A_42 = arith.addi %add3A_41, %iota3A : vector<16xi32>
    %broadcast_in_dim3A_43 = arith.constant 0 : i32
    %broadcast_in_dim3A_44 = vector.broadcast %broadcast_in_dim3A_43 : i32 to vector<16xi32>
    tpu.vector_store_idx %arg8[%add3A_42, %broadcast_in_dim3A_44], %mul3A_34 : memref<128x4xi32, #tpu.memory_space<vmem>>[vector<16xi32>, vector<16xi32>], vector<16xi32>,
    %get3A_45 = arith.constant 0 : i32
    %get3A_46 = arith.index_cast %get3A_45 : i32 to index
    %get3A_47 = arith.constant 16 : index
    %get3A_48 = tpu.vector_load %arg6[%get3A_46, %get3A_47] {strides = array<i32>} : memref<4x128xi32, #tpu.memory_space<vmem>>, vector<16xi32>,
    %ne3A_49 = arith.constant 0 : i32
    %ne3A_50 = vector.broadcast %ne3A_49 : i32 to vector<16xi32>
    %ne3A_51 = arith.cmpi ne, %get3A_48, %ne3A_50 : vector<16xi32>
    %convert_element_type3A_52 = arith.extui %ne3A_51 : vector<16xi1> to vector<16xi32>
    %broadcast_in_dim3A_53 = arith.constant true
    %broadcast_in_dim3A_54 = vector.broadcast %broadcast_in_dim3A_53 : i1 to vector<16xi1>
    %masked_cumsum3A_55 = tpu.scan <sum>, %convert_element_type3A_52 masked %broadcast_in_dim3A_54 : vector<16xi32>, vector<16xi1> -> vector<16xi32>
    %add3A_56 = vector.broadcast %add3A_39 : i32 to vector<16xi32>
    %add3A_57 = arith.addi %add3A_56, %masked_cumsum3A_55 : vector<16xi32>
    %mul3A_58 = arith.muli %add3A_57, %convert_element_type3A_52 : vector<16xi32>
    %reduce_sum3A_59 = arith.constant true
    %reduce_sum3A_60 = vector.broadcast %reduce_sum3A_59 : i1 to vector<16xi1>
    %reduce_sum3A_61 = tpu.scan <sum>, %convert_element_type3A_52 masked %reduce_sum3A_60 : vector<16xi32>, vector<16xi1> -> vector<16xi32>
    %reduce_sum3A_62 = vector.extract %reduce_sum3A_61[15] : i32 from vector<16xi32>
    %add3A_63 = arith.addi %add3A_39, %reduce_sum3A_62 : i32
    %add3A_64 = arith.constant 16 : i32
    %add3A_65 = vector.broadcast %add3A_64 : i32 to vector<16xi32>
    %add3A_66 = arith.addi %add3A_65, %iota3A : vector<16xi32>
    %broadcast_in_dim3A_67 = arith.constant 0 : i32
    %broadcast_in_dim3A_68 = vector.broadcast %broadcast_in_dim3A_67 : i32 to vector<16xi32>
    tpu.vector_store_idx %arg8[%add3A_66, %broadcast_in_dim3A_68], %mul3A_58 : memref<128x4xi32, #tpu.memory_space<vmem>>[vector<16xi32>, vector<16xi32>], vector<16xi32>,
    %get3A_69 = arith.constant 0 : i32
    %get3A_70 = arith.index_cast %get3A_69 : i32 to index
    %get3A_71 = arith.constant 32 : index
    %get3A_72 = tpu.vector_load %arg6[%get3A_70, %get3A_71] {strides = array<i32>} : memref<4x128xi32, #tpu.memory_space<vmem>>, vector<16xi32>,
    %ne3A_73 = arith.constant 0 : i32
    %ne3A_74 = vector.broadcast %ne3A_73 : i32 to vector<16xi32>
    %ne3A_75 = arith.cmpi ne, %get3A_72, %ne3A_74 : vector<16xi32>
    %convert_element_type3A_76 = arith.extui %ne3A_75 : vector<16xi1> to vector<16xi32>
    %broadcast_in_dim3A_77 = arith.constant true
    %broadcast_in_dim3A_78 = vector.broadcast %broadcast_in_dim3A_77 : i1 to vector<16xi1>
    %masked_cumsum3A_79 = tpu.scan <sum>, %convert_element_type3A_76 masked %broadcast_in_dim3A_78 : vector<16xi32>, vector<16xi1> -> vector<16xi32>
    %add3A_80 = vector.broadcast %add3A_63 : i32 to vector<16xi32>
    %add3A_81 = arith.addi %add3A_80, %masked_cumsum3A_79 : vector<16xi32>
    %mul3A_82 = arith.muli %add3A_81, %convert_element_type3A_76 : vector<16xi32>
    %reduce_sum3A_83 = arith.constant true
    %reduce_sum3A_84 = vector.broadcast %reduce_sum3A_83 : i1 to vector<16xi1>
    %reduce_sum3A_85 = tpu.scan <sum>, %convert_element_type3A_76 masked %reduce_sum3A_84 : vector<16xi32>, vector<16xi1> -> vector<16xi32>
    %reduce_sum3A_86 = vector.extract %reduce_sum3A_85[15] : i32 from vector<16xi32>
    %add3A_87 = arith.addi %add3A_63, %reduce_sum3A_86 : i32
    %add3A_88 = arith.constant 32 : i32
    %add3A_89 = vector.broadcast %add3A_88 : i32 to vector<16xi32>
    %add3A_90 = arith.addi %add3A_89, %iota3A : vector<16xi32>
    %broadcast_in_dim3A_91 = arith.constant 0 : i32
    %broadcast_in_dim3A_92 = vector.broadcast %broadcast_in_dim3A_91 : i32 to vector<16xi32>
    tpu.vector_store_idx %arg8[%add3A_90, %broadcast_in_dim3A_92], %mul3A_82 : memref<128x4xi32, #tpu.memory_space<vmem>>[vector<16xi32>, vector<16xi32>], vector<16xi32>,
    %get3A_93 = arith.constant 0 : i32
    %get3A_94 = arith.index_cast %get3A_93 : i32 to index
    %get3A_95 = arith.constant 48 : index
    %get3A_96 = tpu.vector_load %arg6[%get3A_94, %get3A_95] {strides = array<i32>} : memref<4x128xi32, #tpu.memory_space<vmem>>, vector<16xi32>,
    %ne3A_97 = arith.constant 0 : i32
    %ne3A_98 = vector.broadcast %ne3A_97 : i32 to vector<16xi32>
    %ne3A_99 = arith.cmpi ne, %get3A_96, %ne3A_98 : vector<16xi32>
    %convert_element_type3A_100 = arith.extui %ne3A_99 : vector<16xi1> to vector<16xi32>
    %broadcast_in_dim3A_101 = arith.constant true
    %broadcast_in_dim3A_102 = vector.broadcast %broadcast_in_dim3A_101 : i1 to vector<16xi1>
    %masked_cumsum3A_103 = tpu.scan <sum>, %convert_element_type3A_100 masked %broadcast_in_dim3A_102 : vector<16xi32>, vector<16xi1> -> vector<16xi32>
    %add3A_104 = vector.broadcast %add3A_87 : i32 to vector<16xi32>
    %add3A_105 = arith.addi %add3A_104, %masked_cumsum3A_103 : vector<16xi32>
    %mul3A_106 = arith.muli %add3A_105, %convert_element_type3A_100 : vector<16xi32>
    %reduce_sum3A_107 = arith.constant true
    %reduce_sum3A_108 = vector.broadcast %reduce_sum3A_107 : i1 to vector<16xi1>
    %reduce_sum3A_109 = tpu.scan <sum>, %convert_element_type3A_100 masked %reduce_sum3A_108 : vector<16xi32>, vector<16xi1> -> vector<16xi32>
    %reduce_sum3A_110 = vector.extract %reduce_sum3A_109[15] : i32 from vector<16xi32>
    %add3A_111 = arith.addi %add3A_87, %reduce_sum3A_110 : i32
    %add3A_112 = arith.constant 48 : i32
    %add3A_113 = vector.broadcast %add3A_112 : i32 to vector<16xi32>
    %add3A_114 = arith.addi %add3A_113, %iota3A : vector<16xi32>
    %broadcast_in_dim3A_115 = arith.constant 0 : i32
    %broadcast_in_dim3A_116 = vector.broadcast %broadcast_in_dim3A_115 : i32 to vector<16xi32>
    tpu.vector_store_idx %arg8[%add3A_114, %broadcast_in_dim3A_116], %mul3A_106 : memref<128x4xi32, #tpu.memory_space<vmem>>[vector<16xi32>, vector<16xi32>], vector<16xi32>,
    %get3A_117 = arith.constant 0 : i32
    %get3A_118 = arith.index_cast %get3A_117 : i32 to index
    %get3A_119 = arith.constant 64 : index
    %get3A_120 = tpu.vector_load %arg6[%get3A_118, %get3A_119] {strides = array<i32>} : memref<4x128xi32, #tpu.memory_space<vmem>>, vector<16xi32>,
    %ne3A_121 = arith.constant 0 : i32
    %ne3A_122 = vector.broadcast %ne3A_121 : i32 to vector<16xi32>
    %ne3A_123 = arith.cmpi ne, %get3A_120, %ne3A_122 : vector<16xi32>
    %convert_element_type3A_124 = arith.extui %ne3A_123 : vector<16xi1> to vector<16xi32>
    %broadcast_in_dim3A_125 = arith.constant true
    %broadcast_in_dim3A_126 = vector.broadcast %broadcast_in_dim3A_125 : i1 to vector<16xi1>
    %masked_cumsum3A_127 = tpu.scan <sum>, %convert_element_type3A_124 masked %broadcast_in_dim3A_126 : vector<16xi32>, vector<16xi1> -> vector<16xi32>
    %add3A_128 = vector.broadcast %add3A_111 : i32 to vector<16xi32>
    %add3A_129 = arith.addi %add3A_128, %masked_cumsum3A_127 : vector<16xi32>
    %mul3A_130 = arith.muli %add3A_129, %convert_element_type3A_124 : vector<16xi32>
    %reduce_sum3A_131 = arith.constant true
    %reduce_sum3A_132 = vector.broadcast %reduce_sum3A_131 : i1 to vector<16xi1>
    %reduce_sum3A_133 = tpu.scan <sum>, %convert_element_type3A_124 masked %reduce_sum3A_132 : vector<16xi32>, vector<16xi1> -> vector<16xi32>
    %reduce_sum3A_134 = vector.extract %reduce_sum3A_133[15] : i32 from vector<16xi32>
    %add3A_135 = arith.addi %add3A_111, %reduce_sum3A_134 : i32
    %add3A_136 = arith.constant 64 : i32
    %add3A_137 = vector.broadcast %add3A_136 : i32 to vector<16xi32>
    %add3A_138 = arith.addi %add3A_137, %iota3A : vector<16xi32>
    %broadcast_in_dim3A_139 = arith.constant 0 : i32
    %broadcast_in_dim3A_140 = vector.broadcast %broadcast_in_dim3A_139 : i32 to vector<16xi32>
    tpu.vector_store_idx %arg8[%add3A_138, %broadcast_in_dim3A_140], %mul3A_130 : memref<128x4xi32, #tpu.memory_space<vmem>>[vector<16xi32>, vector<16xi32>], vector<16xi32>,
    %get3A_141 = arith.constant 0 : i32
    %get3A_142 = arith.index_cast %get3A_141 : i32 to index
    %get3A_143 = arith.constant 80 : index
    %get3A_144 = tpu.vector_load %arg6[%get3A_142, %get3A_143] {strides = array<i32>} : memref<4x128xi32, #tpu.memory_space<vmem>>, vector<16xi32>,
    %ne3A_145 = arith.constant 0 : i32
    %ne3A_146 = vector.broadcast %ne3A_145 : i32 to vector<16xi32>
    %ne3A_147 = arith.cmpi ne, %get3A_144, %ne3A_146 : vector<16xi32>
    %convert_element_type3A_148 = arith.extui %ne3A_147 : vector<16xi1> to vector<16xi32>
    %broadcast_in_dim3A_149 = arith.constant true
    %broadcast_in_dim3A_150 = vector.broadcast %broadcast_in_dim3A_149 : i1 to vector<16xi1>
    %masked_cumsum3A_151 = tpu.scan <sum>, %convert_element_type3A_148 masked %broadcast_in_dim3A_150 : vector<16xi32>, vector<16xi1> -> vector<16xi32>
    %add3A_152 = vector.broadcast %add3A_135 : i32 to vector<16xi32>
    %add3A_153 = arith.addi %add3A_152, %masked_cumsum3A_151 : vector<16xi32>
    %mul3A_154 = arith.muli %add3A_153, %convert_element_type3A_148 : vector<16xi32>
    %reduce_sum3A_155 = arith.constant true
    %reduce_sum3A_156 = vector.broadcast %reduce_sum3A_155 : i1 to vector<16xi1>
    %reduce_sum3A_157 = tpu.scan <sum>, %convert_element_type3A_148 masked %reduce_sum3A_156 : vector<16xi32>, vector<16xi1> -> vector<16xi32>
    %reduce_sum3A_158 = vector.extract %reduce_sum3A_157[15] : i32 from vector<16xi32>
    %add3A_159 = arith.addi %add3A_135, %reduce_sum3A_158 : i32
    %add3A_160 = arith.constant 80 : i32
    %add3A_161 = vector.broadcast %add3A_160 : i32 to vector<16xi32>
    %add3A_162 = arith.addi %add3A_161, %iota3A : vector<16xi32>
    %broadcast_in_dim3A_163 = arith.constant 0 : i32
    %broadcast_in_dim3A_164 = vector.broadcast %broadcast_in_dim3A_163 : i32 to vector<16xi32>
    tpu.vector_store_idx %arg8[%add3A_162, %broadcast_in_dim3A_164], %mul3A_154 : memref<128x4xi32, #tpu.memory_space<vmem>>[vector<16xi32>, vector<16xi32>], vector<16xi32>,
    %get3A_165 = arith.constant 0 : i32
    %get3A_166 = arith.index_cast %get3A_165 : i32 to index
    %get3A_167 = arith.constant 96 : index
    %get3A_168 = tpu.vector_load %arg6[%get3A_166, %get3A_167] {strides = array<i32>} : memref<4x128xi32, #tpu.memory_space<vmem>>, vector<16xi32>,
    %ne3A_169 = arith.constant 0 : i32
    %ne3A_170 = vector.broadcast %ne3A_169 : i32 to vector<16xi32>
    %ne3A_171 = arith.cmpi ne, %get3A_168, %ne3A_170 : vector<16xi32>
    %convert_element_type3A_172 = arith.extui %ne3A_171 : vector<16xi1> to vector<16xi32>
    %broadcast_in_dim3A_173 = arith.constant true
    %broadcast_in_dim3A_174 = vector.broadcast %broadcast_in_dim3A_173 : i1 to vector<16xi1>
    %masked_cumsum3A_175 = tpu.scan <sum>, %convert_element_type3A_172 masked %broadcast_in_dim3A_174 : vector<16xi32>, vector<16xi1> -> vector<16xi32>
    %add3A_176 = vector.broadcast %add3A_159 : i32 to vector<16xi32>
    %add3A_177 = arith.addi %add3A_176, %masked_cumsum3A_175 : vector<16xi32>
    %mul3A_178 = arith.muli %add3A_177, %convert_element_type3A_172 : vector<16xi32>
    %reduce_sum3A_179 = arith.constant true
    %reduce_sum3A_180 = vector.broadcast %reduce_sum3A_179 : i1 to vector<16xi1>
    %reduce_sum3A_181 = tpu.scan <sum>, %convert_element_type3A_172 masked %reduce_sum3A_180 : vector<16xi32>, vector<16xi1> -> vector<16xi32>
    %reduce_sum3A_182 = vector.extract %reduce_sum3A_181[15] : i32 from vector<16xi32>
    %add3A_183 = arith.addi %add3A_159, %reduce_sum3A_182 : i32
    %add3A_184 = arith.constant 96 : i32
    %add3A_185 = vector.broadcast %add3A_184 : i32 to vector<16xi32>
    %add3A_186 = arith.addi %add3A_185, %iota3A : vector<16xi32>
    %broadcast_in_dim3A_187 = arith.constant 0 : i32
    %broadcast_in_dim3A_188 = vector.broadcast %broadcast_in_dim3A_187 : i32 to vector<16xi32>
    tpu.vector_store_idx %arg8[%add3A_186, %broadcast_in_dim3A_188], %mul3A_178 : memref<128x4xi32, #tpu.memory_space<vmem>>[vector<16xi32>, vector<16xi32>], vector<16xi32>,
    %get3A_189 = arith.constant 0 : i32
    %get3A_190 = arith.index_cast %get3A_189 : i32 to index
    %get3A_191 = arith.constant 112 : index
    %get3A_192 = tpu.vector_load %arg6[%get3A_190, %get3A_191] {strides = array<i32>} : memref<4x128xi32, #tpu.memory_space<vmem>>, vector<16xi32>,
    %ne3A_193 = arith.constant 0 : i32
    %ne3A_194 = vector.broadcast %ne3A_193 : i32 to vector<16xi32>
    %ne3A_195 = arith.cmpi ne, %get3A_192, %ne3A_194 : vector<16xi32>
    %convert_element_type3A_196 = arith.extui %ne3A_195 : vector<16xi1> to vector<16xi32>
    %broadcast_in_dim3A_197 = arith.constant true
    %broadcast_in_dim3A_198 = vector.broadcast %broadcast_in_dim3A_197 : i1 to vector<16xi1>
    %masked_cumsum3A_199 = tpu.scan <sum>, %convert_element_type3A_196 masked %broadcast_in_dim3A_198 : vector<16xi32>, vector<16xi1> -> vector<16xi32>
    %add3A_200 = vector.broadcast %add3A_183 : i32 to vector<16xi32>
    %add3A_201 = arith.addi %add3A_200, %masked_cumsum3A_199 : vector<16xi32>
    %mul3A_202 = arith.muli %add3A_201, %convert_element_type3A_196 : vector<16xi32>
    %reduce_sum3A_203 = arith.constant true
    %reduce_sum3A_204 = vector.broadcast %reduce_sum3A_203 : i1 to vector<16xi1>
    %reduce_sum3A_205 = tpu.scan <sum>, %convert_element_type3A_196 masked %reduce_sum3A_204 : vector<16xi32>, vector<16xi1> -> vector<16xi32>
    %reduce_sum3A_206 = vector.extract %reduce_sum3A_205[15] : i32 from vector<16xi32>
    %add3A_207 = arith.addi %add3A_183, %reduce_sum3A_206 : i32
    %add3A_208 = arith.constant 112 : i32
    %add3A_209 = vector.broadcast %add3A_208 : i32 to vector<16xi32>
    %add3A_210 = arith.addi %add3A_209, %iota3A : vector<16xi32>
    %broadcast_in_dim3A_211 = arith.constant 0 : i32
    %broadcast_in_dim3A_212 = vector.broadcast %broadcast_in_dim3A_211 : i32 to vector<16xi32>
    tpu.vector_store_idx %arg8[%add3A_210, %broadcast_in_dim3A_212], %mul3A_202 : memref<128x4xi32, #tpu.memory_space<vmem>>[vector<16xi32>, vector<16xi32>], vector<16xi32>,
    %reduce_sum3A_213 = arith.constant true
    %reduce_sum3A_214 = vector.broadcast %reduce_sum3A_213 : i1 to vector<16xi1>
    %reduce_sum3A_215 = tpu.scan <sum>, %while3A_21#1 masked %reduce_sum3A_214 : vector<16xi32>, vector<16xi1> -> vector<16xi32>
    %reduce_sum3A_216 = vector.extract %reduce_sum3A_215[15] : i32 from vector<16xi32>
    %get3A_217 = arith.constant 1 : i32
    %get3A_218 = arith.index_cast %get3A_217 : i32 to index
    %get3A_219 = arith.constant 0 : index
    %get3A_220 = tpu.vector_load %arg6[%get3A_218, %get3A_219] {strides = array<i32>} : memref<4x128xi32, #tpu.memory_space<vmem>>, vector<16xi32>,
    %ne3A_221 = arith.constant 0 : i32
    %ne3A_222 = vector.broadcast %ne3A_221 : i32 to vector<16xi32>
    %ne3A_223 = arith.cmpi ne, %get3A_220, %ne3A_222 : vector<16xi32>
    %convert_element_type3A_224 = arith.extui %ne3A_223 : vector<16xi1> to vector<16xi32>
    %broadcast_in_dim3A_225 = arith.constant true
    %broadcast_in_dim3A_226 = vector.broadcast %broadcast_in_dim3A_225 : i1 to vector<16xi1>
    %masked_cumsum3A_227 = tpu.scan <sum>, %convert_element_type3A_224 masked %broadcast_in_dim3A_226 : vector<16xi32>, vector<16xi1> -> vector<16xi32>
    %add3A_228 = vector.broadcast %reduce_sum3A_216 : i32 to vector<16xi32>
    %add3A_229 = arith.addi %add3A_228, %masked_cumsum3A_227 : vector<16xi32>
    %mul3A_230 = arith.muli %add3A_229, %convert_element_type3A_224 : vector<16xi32>
    %reduce_sum3A_231 = arith.constant true
    %reduce_sum3A_232 = vector.broadcast %reduce_sum3A_231 : i1 to vector<16xi1>
    %reduce_sum3A_233 = tpu.scan <sum>, %convert_element_type3A_224 masked %reduce_sum3A_232 : vector<16xi32>, vector<16xi1> -> vector<16xi32>
    %reduce_sum3A_234 = vector.extract %reduce_sum3A_233[15] : i32 from vector<16xi32>
    %add3A_235 = arith.addi %reduce_sum3A_216, %reduce_sum3A_234 : i32
    %add3A_236 = arith.constant 0 : i32
    %add3A_237 = vector.broadcast %add3A_236 : i32 to vector<16xi32>
    %add3A_238 = arith.addi %add3A_237, %iota3A : vector<16xi32>
    %broadcast_in_dim3A_239 = arith.constant 1 : i32
    %broadcast_in_dim3A_240 = vector.broadcast %broadcast_in_dim3A_239 : i32 to vector<16xi32>
    tpu.vector_store_idx %arg8[%add3A_238, %broadcast_in_dim3A_240], %mul3A_230 : memref<128x4xi32, #tpu.memory_space<vmem>>[vector<16xi32>, vector<16xi32>], vector<16xi32>,
    %get3A_241 = arith.constant 1 : i32
    %get3A_242 = arith.index_cast %get3A_241 : i32 to index
    %get3A_243 = arith.constant 16 : index
    %get3A_244 = tpu.vector_load %arg6[%get3A_242, %get3A_243] {strides = array<i32>} : memref<4x128xi32, #tpu.memory_space<vmem>>, vector<16xi32>,
    %ne3A_245 = arith.constant 0 : i32
    %ne3A_246 = vector.broadcast %ne3A_245 : i32 to vector<16xi32>
    %ne3A_247 = arith.cmpi ne, %get3A_244, %ne3A_246 : vector<16xi32>
    %convert_element_type3A_248 = arith.extui %ne3A_247 : vector<16xi1> to vector<16xi32>
    %broadcast_in_dim3A_249 = arith.constant true
    %broadcast_in_dim3A_250 = vector.broadcast %broadcast_in_dim3A_249 : i1 to vector<16xi1>
    %masked_cumsum3A_251 = tpu.scan <sum>, %convert_element_type3A_248 masked %broadcast_in_dim3A_250 : vector<16xi32>, vector<16xi1> -> vector<16xi32>
    %add3A_252 = vector.broadcast %add3A_235 : i32 to vector<16xi32>
    %add3A_253 = arith.addi %add3A_252, %masked_cumsum3A_251 : vector<16xi32>
    %mul3A_254 = arith.muli %add3A_253, %convert_element_type3A_248 : vector<16xi32>
    %reduce_sum3A_255 = arith.constant true
    %reduce_sum3A_256 = vector.broadcast %reduce_sum3A_255 : i1 to vector<16xi1>
    %reduce_sum3A_257 = tpu.scan <sum>, %convert_element_type3A_248 masked %reduce_sum3A_256 : vector<16xi32>, vector<16xi1> -> vector<16xi32>
    %reduce_sum3A_258 = vector.extract %reduce_sum3A_257[15] : i32 from vector<16xi32>
    %add3A_259 = arith.addi %add3A_235, %reduce_sum3A_258 : i32
    %add3A_260 = arith.constant 16 : i32
    %add3A_261 = vector.broadcast %add3A_260 : i32 to vector<16xi32>
    %add3A_262 = arith.addi %add3A_261, %iota3A : vector<16xi32>
    %broadcast_in_dim3A_263 = arith.constant 1 : i32
    %broadcast_in_dim3A_264 = vector.broadcast %broadcast_in_dim3A_263 : i32 to vector<16xi32>
    tpu.vector_store_idx %arg8[%add3A_262, %broadcast_in_dim3A_264], %mul3A_254 : memref<128x4xi32, #tpu.memory_space<vmem>>[vector<16xi32>, vector<16xi32>], vector<16xi32>,
    %get3A_265 = arith.constant 1 : i32
    %get3A_266 = arith.index_cast %get3A_265 : i32 to index
    %get3A_267 = arith.constant 32 : index
    %get3A_268 = tpu.vector_load %arg6[%get3A_266, %get3A_267] {strides = array<i32>} : memref<4x128xi32, #tpu.memory_space<vmem>>, vector<16xi32>,
    %ne3A_269 = arith.constant 0 : i32
    %ne3A_270 = vector.broadcast %ne3A_269 : i32 to vector<16xi32>
    %ne3A_271 = arith.cmpi ne, %get3A_268, %ne3A_270 : vector<16xi32>
    %convert_element_type3A_272 = arith.extui %ne3A_271 : vector<16xi1> to vector<16xi32>
    %broadcast_in_dim3A_273 = arith.constant true
    %broadcast_in_dim3A_274 = vector.broadcast %broadcast_in_dim3A_273 : i1 to vector<16xi1>
    %masked_cumsum3A_275 = tpu.scan <sum>, %convert_element_type3A_272 masked %broadcast_in_dim3A_274 : vector<16xi32>, vector<16xi1> -> vector<16xi32>
    %add3A_276 = vector.broadcast %add3A_259 : i32 to vector<16xi32>
    %add3A_277 = arith.addi %add3A_276, %masked_cumsum3A_275 : vector<16xi32>
    %mul3A_278 = arith.muli %add3A_277, %convert_element_type3A_272 : vector<16xi32>
    %reduce_sum3A_279 = arith.constant true
    %reduce_sum3A_280 = vector.broadcast %reduce_sum3A_279 : i1 to vector<16xi1>
    %reduce_sum3A_281 = tpu.scan <sum>, %convert_element_type3A_272 masked %reduce_sum3A_280 : vector<16xi32>, vector<16xi1> -> vector<16xi32>
    %reduce_sum3A_282 = vector.extract %reduce_sum3A_281[15] : i32 from vector<16xi32>
    %add3A_283 = arith.addi %add3A_259, %reduce_sum3A_282 : i32
    %add3A_284 = arith.constant 32 : i32
    %add3A_285 = vector.broadcast %add3A_284 : i32 to vector<16xi32>
    %add3A_286 = arith.addi %add3A_285, %iota3A : vector<16xi32>
    %broadcast_in_dim3A_287 = arith.constant 1 : i32
    %broadcast_in_dim3A_288 = vector.broadcast %broadcast_in_dim3A_287 : i32 to vector<16xi32>
    tpu.vector_store_idx %arg8[%add3A_286, %broadcast_in_dim3A_288], %mul3A_278 : memref<128x4xi32, #tpu.memory_space<vmem>>[vector<16xi32>, vector<16xi32>], vector<16xi32>,
    %get3A_289 = arith.constant 1 : i32
    %get3A_290 = arith.index_cast %get3A_289 : i32 to index
    %get3A_291 = arith.constant 48 : index
    %get3A_292 = tpu.vector_load %arg6[%get3A_290, %get3A_291] {strides = array<i32>} : memref<4x128xi32, #tpu.memory_space<vmem>>, vector<16xi32>,
    %ne3A_293 = arith.constant 0 : i32
    %ne3A_294 = vector.broadcast %ne3A_293 : i32 to vector<16xi32>
    %ne3A_295 = arith.cmpi ne, %get3A_292, %ne3A_294 : vector<16xi32>
    %convert_element_type3A_296 = arith.extui %ne3A_295 : vector<16xi1> to vector<16xi32>
    %broadcast_in_dim3A_297 = arith.constant true
    %broadcast_in_dim3A_298 = vector.broadcast %broadcast_in_dim3A_297 : i1 to vector<16xi1>
    %masked_cumsum3A_299 = tpu.scan <sum>, %convert_element_type3A_296 masked %broadcast_in_dim3A_298 : vector<16xi32>, vector<16xi1> -> vector<16xi32>
    %add3A_300 = vector.broadcast %add3A_283 : i32 to vector<16xi32>
    %add3A_301 = arith.addi %add3A_300, %masked_cumsum3A_299 : vector<16xi32>
    %mul3A_302 = arith.muli %add3A_301, %convert_element_type3A_296 : vector<16xi32>
    %reduce_sum3A_303 = arith.constant true
    %reduce_sum3A_304 = vector.broadcast %reduce_sum3A_303 : i1 to vector<16xi1>
    %reduce_sum3A_305 = tpu.scan <sum>, %convert_element_type3A_296 masked %reduce_sum3A_304 : vector<16xi32>, vector<16xi1> -> vector<16xi32>
    %reduce_sum3A_306 = vector.extract %reduce_sum3A_305[15] : i32 from vector<16xi32>
    %add3A_307 = arith.addi %add3A_283, %reduce_sum3A_306 : i32
    %add3A_308 = arith.constant 48 : i32
    %add3A_309 = vector.broadcast %add3A_308 : i32 to vector<16xi32>
    %add3A_310 = arith.addi %add3A_309, %iota3A : vector<16xi32>
    %broadcast_in_dim3A_311 = arith.constant 1 : i32
    %broadcast_in_dim3A_312 = vector.broadcast %broadcast_in_dim3A_311 : i32 to vector<16xi32>
    tpu.vector_store_idx %arg8[%add3A_310, %broadcast_in_dim3A_312], %mul3A_302 : memref<128x4xi32, #tpu.memory_space<vmem>>[vector<16xi32>, vector<16xi32>], vector<16xi32>,
    %get3A_313 = arith.constant 1 : i32
    %get3A_314 = arith.index_cast %get3A_313 : i32 to index
    %get3A_315 = arith.constant 64 : index
    %get3A_316 = tpu.vector_load %arg6[%get3A_314, %get3A_315] {strides = array<i32>} : memref<4x128xi32, #tpu.memory_space<vmem>>, vector<16xi32>,
    %ne3A_317 = arith.constant 0 : i32
    %ne3A_318 = vector.broadcast %ne3A_317 : i32 to vector<16xi32>
    %ne3A_319 = arith.cmpi ne, %get3A_316, %ne3A_318 : vector<16xi32>
    %convert_element_type3A_320 = arith.extui %ne3A_319 : vector<16xi1> to vector<16xi32>
    %broadcast_in_dim3A_321 = arith.constant true
    %broadcast_in_dim3A_322 = vector.broadcast %broadcast_in_dim3A_321 : i1 to vector<16xi1>
    %masked_cumsum3A_323 = tpu.scan <sum>, %convert_element_type3A_320 masked %broadcast_in_dim3A_322 : vector<16xi32>, vector<16xi1> -> vector<16xi32>
    %add3A_324 = vector.broadcast %add3A_307 : i32 to vector<16xi32>
    %add3A_325 = arith.addi %add3A_324, %masked_cumsum3A_323 : vector<16xi32>
    %mul3A_326 = arith.muli %add3A_325, %convert_element_type3A_320 : vector<16xi32>
    %reduce_sum3A_327 = arith.constant true
    %reduce_sum3A_328 = vector.broadcast %reduce_sum3A_327 : i1 to vector<16xi1>
    %reduce_sum3A_329 = tpu.scan <sum>, %convert_element_type3A_320 masked %reduce_sum3A_328 : vector<16xi32>, vector<16xi1> -> vector<16xi32>
    %reduce_sum3A_330 = vector.extract %reduce_sum3A_329[15] : i32 from vector<16xi32>
    %add3A_331 = arith.addi %add3A_307, %reduce_sum3A_330 : i32
    %add3A_332 = arith.constant 64 : i32
    %add3A_333 = vector.broadcast %add3A_332 : i32 to vector<16xi32>
    %add3A_334 = arith.addi %add3A_333, %iota3A : vector<16xi32>
    %broadcast_in_dim3A_335 = arith.constant 1 : i32
    %broadcast_in_dim3A_336 = vector.broadcast %broadcast_in_dim3A_335 : i32 to vector<16xi32>
    tpu.vector_store_idx %arg8[%add3A_334, %broadcast_in_dim3A_336], %mul3A_326 : memref<128x4xi32, #tpu.memory_space<vmem>>[vector<16xi32>, vector<16xi32>], vector<16xi32>,
    %get3A_337 = arith.constant 1 : i32
    %get3A_338 = arith.index_cast %get3A_337 : i32 to index
    %get3A_339 = arith.constant 80 : index
    %get3A_340 = tpu.vector_load %arg6[%get3A_338, %get3A_339] {strides = array<i32>} : memref<4x128xi32, #tpu.memory_space<vmem>>, vector<16xi32>,
    %ne3A_341 = arith.constant 0 : i32
    %ne3A_342 = vector.broadcast %ne3A_341 : i32 to vector<16xi32>
    %ne3A_343 = arith.cmpi ne, %get3A_340, %ne3A_342 : vector<16xi32>
    %convert_element_type3A_344 = arith.extui %ne3A_343 : vector<16xi1> to vector<16xi32>
    %broadcast_in_dim3A_345 = arith.constant true
    %broadcast_in_dim3A_346 = vector.broadcast %broadcast_in_dim3A_345 : i1 to vector<16xi1>
    %masked_cumsum3A_347 = tpu.scan <sum>, %convert_element_type3A_344 masked %broadcast_in_dim3A_346 : vector<16xi32>, vector<16xi1> -> vector<16xi32>
    %add3A_348 = vector.broadcast %add3A_331 : i32 to vector<16xi32>
    %add3A_349 = arith.addi %add3A_348, %masked_cumsum3A_347 : vector<16xi32>
    %mul3A_350 = arith.muli %add3A_349, %convert_element_type3A_344 : vector<16xi32>
    %reduce_sum3A_351 = arith.constant true
    %reduce_sum3A_352 = vector.broadcast %reduce_sum3A_351 : i1 to vector<16xi1>
    %reduce_sum3A_353 = tpu.scan <sum>, %convert_element_type3A_344 masked %reduce_sum3A_352 : vector<16xi32>, vector<16xi1> -> vector<16xi32>
    %reduce_sum3A_354 = vector.extract %reduce_sum3A_353[15] : i32 from vector<16xi32>
    %add3A_355 = arith.addi %add3A_331, %reduce_sum3A_354 : i32
    %add3A_356 = arith.constant 80 : i32
    %add3A_357 = vector.broadcast %add3A_356 : i32 to vector<16xi32>
    %add3A_358 = arith.addi %add3A_357, %iota3A : vector<16xi32>
    %broadcast_in_dim3A_359 = arith.constant 1 : i32
    %broadcast_in_dim3A_360 = vector.broadcast %broadcast_in_dim3A_359 : i32 to vector<16xi32>
    tpu.vector_store_idx %arg8[%add3A_358, %broadcast_in_dim3A_360], %mul3A_350 : memref<128x4xi32, #tpu.memory_space<vmem>>[vector<16xi32>, vector<16xi32>], vector<16xi32>,
    %get3A_361 = arith.constant 1 : i32
    %get3A_362 = arith.index_cast %get3A_361 : i32 to index
    %get3A_363 = arith.constant 96 : index
    %get3A_364 = tpu.vector_load %arg6[%get3A_362, %get3A_363] {strides = array<i32>} : memref<4x128xi32, #tpu.memory_space<vmem>>, vector<16xi32>,
    %ne3A_365 = arith.constant 0 : i32
    %ne3A_366 = vector.broadcast %ne3A_365 : i32 to vector<16xi32>
    %ne3A_367 = arith.cmpi ne, %get3A_364, %ne3A_366 : vector<16xi32>
    %convert_element_type3A_368 = arith.extui %ne3A_367 : vector<16xi1> to vector<16xi32>
    %broadcast_in_dim3A_369 = arith.constant true
    %broadcast_in_dim3A_370 = vector.broadcast %broadcast_in_dim3A_369 : i1 to vector<16xi1>
    %masked_cumsum3A_371 = tpu.scan <sum>, %convert_element_type3A_368 masked %broadcast_in_dim3A_370 : vector<16xi32>, vector<16xi1> -> vector<16xi32>
    %add3A_372 = vector.broadcast %add3A_355 : i32 to vector<16xi32>
    %add3A_373 = arith.addi %add3A_372, %masked_cumsum3A_371 : vector<16xi32>
    %mul3A_374 = arith.muli %add3A_373, %convert_element_type3A_368 : vector<16xi32>
    %reduce_sum3A_375 = arith.constant true
    %reduce_sum3A_376 = vector.broadcast %reduce_sum3A_375 : i1 to vector<16xi1>
    %reduce_sum3A_377 = tpu.scan <sum>, %convert_element_type3A_368 masked %reduce_sum3A_376 : vector<16xi32>, vector<16xi1> -> vector<16xi32>
    %reduce_sum3A_378 = vector.extract %reduce_sum3A_377[15] : i32 from vector<16xi32>
    %add3A_379 = arith.addi %add3A_355, %reduce_sum3A_378 : i32
    %add3A_380 = arith.constant 96 : i32
    %add3A_381 = vector.broadcast %add3A_380 : i32 to vector<16xi32>
    %add3A_382 = arith.addi %add3A_381, %iota3A : vector<16xi32>
    %broadcast_in_dim3A_383 = arith.constant 1 : i32
    %broadcast_in_dim3A_384 = vector.broadcast %broadcast_in_dim3A_383 : i32 to vector<16xi32>
    tpu.vector_store_idx %arg8[%add3A_382, %broadcast_in_dim3A_384], %mul3A_374 : memref<128x4xi32, #tpu.memory_space<vmem>>[vector<16xi32>, vector<16xi32>], vector<16xi32>,
    %get3A_385 = arith.constant 1 : i32
    %get3A_386 = arith.index_cast %get3A_385 : i32 to index
    %get3A_387 = arith.constant 112 : index
    %get3A_388 = tpu.vector_load %arg6[%get3A_386, %get3A_387] {strides = array<i32>} : memref<4x128xi32, #tpu.memory_space<vmem>>, vector<16xi32>,
    %ne3A_389 = arith.constant 0 : i32
    %ne3A_390 = vector.broadcast %ne3A_389 : i32 to vector<16xi32>
    %ne3A_391 = arith.cmpi ne, %get3A_388, %ne3A_390 : vector<16xi32>
    %convert_element_type3A_392 = arith.extui %ne3A_391 : vector<16xi1> to vector<16xi32>
    %broadcast_in_dim3A_393 = arith.constant true
    %broadcast_in_dim3A_394 = vector.broadcast %broadcast_in_dim3A_393 : i1 to vector<16xi1>
    %masked_cumsum3A_395 = tpu.scan <sum>, %convert_element_type3A_392 masked %broadcast_in_dim3A_394 : vector<16xi32>, vector<16xi1> -> vector<16xi32>
    %add3A_396 = vector.broadcast %add3A_379 : i32 to vector<16xi32>
    %add3A_397 = arith.addi %add3A_396, %masked_cumsum3A_395 : vector<16xi32>
    %mul3A_398 = arith.muli %add3A_397, %convert_element_type3A_392 : vector<16xi32>
    %reduce_sum3A_399 = arith.constant true
    %reduce_sum3A_400 = vector.broadcast %reduce_sum3A_399 : i1 to vector<16xi1>
    %reduce_sum3A_401 = tpu.scan <sum>, %convert_element_type3A_392 masked %reduce_sum3A_400 : vector<16xi32>, vector<16xi1> -> vector<16xi32>
    %reduce_sum3A_402 = vector.extract %reduce_sum3A_401[15] : i32 from vector<16xi32>
    %add3A_403 = arith.addi %add3A_379, %reduce_sum3A_402 : i32
    %add3A_404 = arith.constant 112 : i32
    %add3A_405 = vector.broadcast %add3A_404 : i32 to vector<16xi32>
    %add3A_406 = arith.addi %add3A_405, %iota3A : vector<16xi32>
    %broadcast_in_dim3A_407 = arith.constant 1 : i32
    %broadcast_in_dim3A_408 = vector.broadcast %broadcast_in_dim3A_407 : i32 to vector<16xi32>
    tpu.vector_store_idx %arg8[%add3A_406, %broadcast_in_dim3A_408], %mul3A_398 : memref<128x4xi32, #tpu.memory_space<vmem>>[vector<16xi32>, vector<16xi32>], vector<16xi32>,
    %reduce_sum3A_409 = arith.constant true
    %reduce_sum3A_410 = vector.broadcast %reduce_sum3A_409 : i1 to vector<16xi1>
    %reduce_sum3A_411 = tpu.scan <sum>, %while3A_21#2 masked %reduce_sum3A_410 : vector<16xi32>, vector<16xi1> -> vector<16xi32>
    %reduce_sum3A_412 = vector.extract %reduce_sum3A_411[15] : i32 from vector<16xi32>
    %get3A_413 = arith.constant 2 : i32
    %get3A_414 = arith.index_cast %get3A_413 : i32 to index
    %get3A_415 = arith.constant 0 : index
    %get3A_416 = tpu.vector_load %arg6[%get3A_414, %get3A_415] {strides = array<i32>} : memref<4x128xi32, #tpu.memory_space<vmem>>, vector<16xi32>,
    %ne3A_417 = arith.constant 0 : i32
    %ne3A_418 = vector.broadcast %ne3A_417 : i32 to vector<16xi32>
    %ne3A_419 = arith.cmpi ne, %get3A_416, %ne3A_418 : vector<16xi32>
    %convert_element_type3A_420 = arith.extui %ne3A_419 : vector<16xi1> to vector<16xi32>
    %broadcast_in_dim3A_421 = arith.constant true
    %broadcast_in_dim3A_422 = vector.broadcast %broadcast_in_dim3A_421 : i1 to vector<16xi1>
    %masked_cumsum3A_423 = tpu.scan <sum>, %convert_element_type3A_420 masked %broadcast_in_dim3A_422 : vector<16xi32>, vector<16xi1> -> vector<16xi32>
    %add3A_424 = vector.broadcast %reduce_sum3A_412 : i32 to vector<16xi32>
    %add3A_425 = arith.addi %add3A_424, %masked_cumsum3A_423 : vector<16xi32>
    %mul3A_426 = arith.muli %add3A_425, %convert_element_type3A_420 : vector<16xi32>
    %reduce_sum3A_427 = arith.constant true
    %reduce_sum3A_428 = vector.broadcast %reduce_sum3A_427 : i1 to vector<16xi1>
    %reduce_sum3A_429 = tpu.scan <sum>, %convert_element_type3A_420 masked %reduce_sum3A_428 : vector<16xi32>, vector<16xi1> -> vector<16xi32>
    %reduce_sum3A_430 = vector.extract %reduce_sum3A_429[15] : i32 from vector<16xi32>
    %add3A_431 = arith.addi %reduce_sum3A_412, %reduce_sum3A_430 : i32
    %add3A_432 = arith.constant 0 : i32
    %add3A_433 = vector.broadcast %add3A_432 : i32 to vector<16xi32>
    %add3A_434 = arith.addi %add3A_433, %iota3A : vector<16xi32>
    %broadcast_in_dim3A_435 = arith.constant 2 : i32
    %broadcast_in_dim3A_436 = vector.broadcast %broadcast_in_dim3A_435 : i32 to vector<16xi32>
    tpu.vector_store_idx %arg8[%add3A_434, %broadcast_in_dim3A_436], %mul3A_426 : memref<128x4xi32, #tpu.memory_space<vmem>>[vector<16xi32>, vector<16xi32>], vector<16xi32>,
    %get3A_437 = arith.constant 2 : i32
    %get3A_438 = arith.index_cast %get3A_437 : i32 to index
    %get3A_439 = arith.constant 16 : index
    %get3A_440 = tpu.vector_load %arg6[%get3A_438, %get3A_439] {strides = array<i32>} : memref<4x128xi32, #tpu.memory_space<vmem>>, vector<16xi32>,
    %ne3A_441 = arith.constant 0 : i32
    %ne3A_442 = vector.broadcast %ne3A_441 : i32 to vector<16xi32>
    %ne3A_443 = arith.cmpi ne, %get3A_440, %ne3A_442 : vector<16xi32>
    %convert_element_type3A_444 = arith.extui %ne3A_443 : vector<16xi1> to vector<16xi32>
    %broadcast_in_dim3A_445 = arith.constant true
    %broadcast_in_dim3A_446 = vector.broadcast %broadcast_in_dim3A_445 : i1 to vector<16xi1>
    %masked_cumsum3A_447 = tpu.scan <sum>, %convert_element_type3A_444 masked %broadcast_in_dim3A_446 : vector<16xi32>, vector<16xi1> -> vector<16xi32>
    %add3A_448 = vector.broadcast %add3A_431 : i32 to vector<16xi32>
    %add3A_449 = arith.addi %add3A_448, %masked_cumsum3A_447 : vector<16xi32>
    %mul3A_450 = arith.muli %add3A_449, %convert_element_type3A_444 : vector<16xi32>
    %reduce_sum3A_451 = arith.constant true
    %reduce_sum3A_452 = vector.broadcast %reduce_sum3A_451 : i1 to vector<16xi1>
    %reduce_sum3A_453 = tpu.scan <sum>, %convert_element_type3A_444 masked %reduce_sum3A_452 : vector<16xi32>, vector<16xi1> -> vector<16xi32>
    %reduce_sum3A_454 = vector.extract %reduce_sum3A_453[15] : i32 from vector<16xi32>
    %add3A_455 = arith.addi %add3A_431, %reduce_sum3A_454 : i32
    %add3A_456 = arith.constant 16 : i32
    %add3A_457 = vector.broadcast %add3A_456 : i32 to vector<16xi32>
    %add3A_458 = arith.addi %add3A_457, %iota3A : vector<16xi32>
    %broadcast_in_dim3A_459 = arith.constant 2 : i32
    %broadcast_in_dim3A_460 = vector.broadcast %broadcast_in_dim3A_459 : i32 to vector<16xi32>
    tpu.vector_store_idx %arg8[%add3A_458, %broadcast_in_dim3A_460], %mul3A_450 : memref<128x4xi32, #tpu.memory_space<vmem>>[vector<16xi32>, vector<16xi32>], vector<16xi32>,
    %get3A_461 = arith.constant 2 : i32
    %get3A_462 = arith.index_cast %get3A_461 : i32 to index
    %get3A_463 = arith.constant 32 : index
    %get3A_464 = tpu.vector_load %arg6[%get3A_462, %get3A_463] {strides = array<i32>} : memref<4x128xi32, #tpu.memory_space<vmem>>, vector<16xi32>,
    %ne3A_465 = arith.constant 0 : i32
    %ne3A_466 = vector.broadcast %ne3A_465 : i32 to vector<16xi32>
    %ne3A_467 = arith.cmpi ne, %get3A_464, %ne3A_466 : vector<16xi32>
    %convert_element_type3A_468 = arith.extui %ne3A_467 : vector<16xi1> to vector<16xi32>
    %broadcast_in_dim3A_469 = arith.constant true
    %broadcast_in_dim3A_470 = vector.broadcast %broadcast_in_dim3A_469 : i1 to vector<16xi1>
    %masked_cumsum3A_471 = tpu.scan <sum>, %convert_element_type3A_468 masked %broadcast_in_dim3A_470 : vector<16xi32>, vector<16xi1> -> vector<16xi32>
    %add3A_472 = vector.broadcast %add3A_455 : i32 to vector<16xi32>
    %add3A_473 = arith.addi %add3A_472, %masked_cumsum3A_471 : vector<16xi32>
    %mul3A_474 = arith.muli %add3A_473, %convert_element_type3A_468 : vector<16xi32>
    %reduce_sum3A_475 = arith.constant true
    %reduce_sum3A_476 = vector.broadcast %reduce_sum3A_475 : i1 to vector<16xi1>
    %reduce_sum3A_477 = tpu.scan <sum>, %convert_element_type3A_468 masked %reduce_sum3A_476 : vector<16xi32>, vector<16xi1> -> vector<16xi32>
    %reduce_sum3A_478 = vector.extract %reduce_sum3A_477[15] : i32 from vector<16xi32>
    %add3A_479 = arith.addi %add3A_455, %reduce_sum3A_478 : i32
    %add3A_480 = arith.constant 32 : i32
    %add3A_481 = vector.broadcast %add3A_480 : i32 to vector<16xi32>
    %add3A_482 = arith.addi %add3A_481, %iota3A : vector<16xi32>
    %broadcast_in_dim3A_483 = arith.constant 2 : i32
    %broadcast_in_dim3A_484 = vector.broadcast %broadcast_in_dim3A_483 : i32 to vector<16xi32>
    tpu.vector_store_idx %arg8[%add3A_482, %broadcast_in_dim3A_484], %mul3A_474 : memref<128x4xi32, #tpu.memory_space<vmem>>[vector<16xi32>, vector<16xi32>], vector<16xi32>,
    %get3A_485 = arith.constant 2 : i32
    %get3A_486 = arith.index_cast %get3A_485 : i32 to index
    %get3A_487 = arith.constant 48 : index
    %get3A_488 = tpu.vector_load %arg6[%get3A_486, %get3A_487] {strides = array<i32>} : memref<4x128xi32, #tpu.memory_space<vmem>>, vector<16xi32>,
    %ne3A_489 = arith.constant 0 : i32
    %ne3A_490 = vector.broadcast %ne3A_489 : i32 to vector<16xi32>
    %ne3A_491 = arith.cmpi ne, %get3A_488, %ne3A_490 : vector<16xi32>
    %convert_element_type3A_492 = arith.extui %ne3A_491 : vector<16xi1> to vector<16xi32>
    %broadcast_in_dim3A_493 = arith.constant true
    %broadcast_in_dim3A_494 = vector.broadcast %broadcast_in_dim3A_493 : i1 to vector<16xi1>
    %masked_cumsum3A_495 = tpu.scan <sum>, %convert_element_type3A_492 masked %broadcast_in_dim3A_494 : vector<16xi32>, vector<16xi1> -> vector<16xi32>
    %add3A_496 = vector.broadcast %add3A_479 : i32 to vector<16xi32>
    %add3A_497 = arith.addi %add3A_496, %masked_cumsum3A_495 : vector<16xi32>
    %mul3A_498 = arith.muli %add3A_497, %convert_element_type3A_492 : vector<16xi32>
    %reduce_sum3A_499 = arith.constant true
    %reduce_sum3A_500 = vector.broadcast %reduce_sum3A_499 : i1 to vector<16xi1>
    %reduce_sum3A_501 = tpu.scan <sum>, %convert_element_type3A_492 masked %reduce_sum3A_500 : vector<16xi32>, vector<16xi1> -> vector<16xi32>
    %reduce_sum3A_502 = vector.extract %reduce_sum3A_501[15] : i32 from vector<16xi32>
    %add3A_503 = arith.addi %add3A_479, %reduce_sum3A_502 : i32
    %add3A_504 = arith.constant 48 : i32
    %add3A_505 = vector.broadcast %add3A_504 : i32 to vector<16xi32>
    %add3A_506 = arith.addi %add3A_505, %iota3A : vector<16xi32>
    %broadcast_in_dim3A_507 = arith.constant 2 : i32
    %broadcast_in_dim3A_508 = vector.broadcast %broadcast_in_dim3A_507 : i32 to vector<16xi32>
    tpu.vector_store_idx %arg8[%add3A_506, %broadcast_in_dim3A_508], %mul3A_498 : memref<128x4xi32, #tpu.memory_space<vmem>>[vector<16xi32>, vector<16xi32>], vector<16xi32>,
    %get3A_509 = arith.constant 2 : i32
    %get3A_510 = arith.index_cast %get3A_509 : i32 to index
    %get3A_511 = arith.constant 64 : index
    %get3A_512 = tpu.vector_load %arg6[%get3A_510, %get3A_511] {strides = array<i32>} : memref<4x128xi32, #tpu.memory_space<vmem>>, vector<16xi32>,
    %ne3A_513 = arith.constant 0 : i32
    %ne3A_514 = vector.broadcast %ne3A_513 : i32 to vector<16xi32>
    %ne3A_515 = arith.cmpi ne, %get3A_512, %ne3A_514 : vector<16xi32>
    %convert_element_type3A_516 = arith.extui %ne3A_515 : vector<16xi1> to vector<16xi32>
    %broadcast_in_dim3A_517 = arith.constant true
    %broadcast_in_dim3A_518 = vector.broadcast %broadcast_in_dim3A_517 : i1 to vector<16xi1>
    %masked_cumsum3A_519 = tpu.scan <sum>, %convert_element_type3A_516 masked %broadcast_in_dim3A_518 : vector<16xi32>, vector<16xi1> -> vector<16xi32>
    %add3A_520 = vector.broadcast %add3A_503 : i32 to vector<16xi32>
    %add3A_521 = arith.addi %add3A_520, %masked_cumsum3A_519 : vector<16xi32>
    %mul3A_522 = arith.muli %add3A_521, %convert_element_type3A_516 : vector<16xi32>
    %reduce_sum3A_523 = arith.constant true
    %reduce_sum3A_524 = vector.broadcast %reduce_sum3A_523 : i1 to vector<16xi1>
    %reduce_sum3A_525 = tpu.scan <sum>, %convert_element_type3A_516 masked %reduce_sum3A_524 : vector<16xi32>, vector<16xi1> -> vector<16xi32>
    %reduce_sum3A_526 = vector.extract %reduce_sum3A_525[15] : i32 from vector<16xi32>
    %add3A_527 = arith.addi %add3A_503, %reduce_sum3A_526 : i32
    %add3A_528 = arith.constant 64 : i32
    %add3A_529 = vector.broadcast %add3A_528 : i32 to vector<16xi32>
    %add3A_530 = arith.addi %add3A_529, %iota3A : vector<16xi32>
    %broadcast_in_dim3A_531 = arith.constant 2 : i32
    %broadcast_in_dim3A_532 = vector.broadcast %broadcast_in_dim3A_531 : i32 to vector<16xi32>
    tpu.vector_store_idx %arg8[%add3A_530, %broadcast_in_dim3A_532], %mul3A_522 : memref<128x4xi32, #tpu.memory_space<vmem>>[vector<16xi32>, vector<16xi32>], vector<16xi32>,
    %get3A_533 = arith.constant 2 : i32
    %get3A_534 = arith.index_cast %get3A_533 : i32 to index
    %get3A_535 = arith.constant 80 : index
    %get3A_536 = tpu.vector_load %arg6[%get3A_534, %get3A_535] {strides = array<i32>} : memref<4x128xi32, #tpu.memory_space<vmem>>, vector<16xi32>,
    %ne3A_537 = arith.constant 0 : i32
    %ne3A_538 = vector.broadcast %ne3A_537 : i32 to vector<16xi32>
    %ne3A_539 = arith.cmpi ne, %get3A_536, %ne3A_538 : vector<16xi32>
    %convert_element_type3A_540 = arith.extui %ne3A_539 : vector<16xi1> to vector<16xi32>
    %broadcast_in_dim3A_541 = arith.constant true
    %broadcast_in_dim3A_542 = vector.broadcast %broadcast_in_dim3A_541 : i1 to vector<16xi1>
    %masked_cumsum3A_543 = tpu.scan <sum>, %convert_element_type3A_540 masked %broadcast_in_dim3A_542 : vector<16xi32>, vector<16xi1> -> vector<16xi32>
    %add3A_544 = vector.broadcast %add3A_527 : i32 to vector<16xi32>
    %add3A_545 = arith.addi %add3A_544, %masked_cumsum3A_543 : vector<16xi32>
    %mul3A_546 = arith.muli %add3A_545, %convert_element_type3A_540 : vector<16xi32>
    %reduce_sum3A_547 = arith.constant true
    %reduce_sum3A_548 = vector.broadcast %reduce_sum3A_547 : i1 to vector<16xi1>
    %reduce_sum3A_549 = tpu.scan <sum>, %convert_element_type3A_540 masked %reduce_sum3A_548 : vector<16xi32>, vector<16xi1> -> vector<16xi32>
    %reduce_sum3A_550 = vector.extract %reduce_sum3A_549[15] : i32 from vector<16xi32>
    %add3A_551 = arith.addi %add3A_527, %reduce_sum3A_550 : i32
    %add3A_552 = arith.constant 80 : i32
    %add3A_553 = vector.broadcast %add3A_552 : i32 to vector<16xi32>
    %add3A_554 = arith.addi %add3A_553, %iota3A : vector<16xi32>
    %broadcast_in_dim3A_555 = arith.constant 2 : i32
    %broadcast_in_dim3A_556 = vector.broadcast %broadcast_in_dim3A_555 : i32 to vector<16xi32>
    tpu.vector_store_idx %arg8[%add3A_554, %broadcast_in_dim3A_556], %mul3A_546 : memref<128x4xi32, #tpu.memory_space<vmem>>[vector<16xi32>, vector<16xi32>], vector<16xi32>,
    %get3A_557 = arith.constant 2 : i32
    %get3A_558 = arith.index_cast %get3A_557 : i32 to index
    %get3A_559 = arith.constant 96 : index
    %get3A_560 = tpu.vector_load %arg6[%get3A_558, %get3A_559] {strides = array<i32>} : memref<4x128xi32, #tpu.memory_space<vmem>>, vector<16xi32>,
    %ne3A_561 = arith.constant 0 : i32
    %ne3A_562 = vector.broadcast %ne3A_561 : i32 to vector<16xi32>
    %ne3A_563 = arith.cmpi ne, %get3A_560, %ne3A_562 : vector<16xi32>
    %convert_element_type3A_564 = arith.extui %ne3A_563 : vector<16xi1> to vector<16xi32>
    %broadcast_in_dim3A_565 = arith.constant true
    %broadcast_in_dim3A_566 = vector.broadcast %broadcast_in_dim3A_565 : i1 to vector<16xi1>
    %masked_cumsum3A_567 = tpu.scan <sum>, %convert_element_type3A_564 masked %broadcast_in_dim3A_566 : vector<16xi32>, vector<16xi1> -> vector<16xi32>
    %add3A_568 = vector.broadcast %add3A_551 : i32 to vector<16xi32>
    %add3A_569 = arith.addi %add3A_568, %masked_cumsum3A_567 : vector<16xi32>
    %mul3A_570 = arith.muli %add3A_569, %convert_element_type3A_564 : vector<16xi32>
    %reduce_sum3A_571 = arith.constant true
    %reduce_sum3A_572 = vector.broadcast %reduce_sum3A_571 : i1 to vector<16xi1>
    %reduce_sum3A_573 = tpu.scan <sum>, %convert_element_type3A_564 masked %reduce_sum3A_572 : vector<16xi32>, vector<16xi1> -> vector<16xi32>
    %reduce_sum3A_574 = vector.extract %reduce_sum3A_573[15] : i32 from vector<16xi32>
    %add3A_575 = arith.addi %add3A_551, %reduce_sum3A_574 : i32
    %add3A_576 = arith.constant 96 : i32
    %add3A_577 = vector.broadcast %add3A_576 : i32 to vector<16xi32>
    %add3A_578 = arith.addi %add3A_577, %iota3A : vector<16xi32>
    %broadcast_in_dim3A_579 = arith.constant 2 : i32
    %broadcast_in_dim3A_580 = vector.broadcast %broadcast_in_dim3A_579 : i32 to vector<16xi32>
    tpu.vector_store_idx %arg8[%add3A_578, %broadcast_in_dim3A_580], %mul3A_570 : memref<128x4xi32, #tpu.memory_space<vmem>>[vector<16xi32>, vector<16xi32>], vector<16xi32>,
    %get3A_581 = arith.constant 2 : i32
    %get3A_582 = arith.index_cast %get3A_581 : i32 to index
    %get3A_583 = arith.constant 112 : index
    %get3A_584 = tpu.vector_load %arg6[%get3A_582, %get3A_583] {strides = array<i32>} : memref<4x128xi32, #tpu.memory_space<vmem>>, vector<16xi32>,
    %ne3A_585 = arith.constant 0 : i32
    %ne3A_586 = vector.broadcast %ne3A_585 : i32 to vector<16xi32>
    %ne3A_587 = arith.cmpi ne, %get3A_584, %ne3A_586 : vector<16xi32>
    %convert_element_type3A_588 = arith.extui %ne3A_587 : vector<16xi1> to vector<16xi32>
    %broadcast_in_dim3A_589 = arith.constant true
    %broadcast_in_dim3A_590 = vector.broadcast %broadcast_in_dim3A_589 : i1 to vector<16xi1>
    %masked_cumsum3A_591 = tpu.scan <sum>, %convert_element_type3A_588 masked %broadcast_in_dim3A_590 : vector<16xi32>, vector<16xi1> -> vector<16xi32>
    %add3A_592 = vector.broadcast %add3A_575 : i32 to vector<16xi32>
    %add3A_593 = arith.addi %add3A_592, %masked_cumsum3A_591 : vector<16xi32>
    %mul3A_594 = arith.muli %add3A_593, %convert_element_type3A_588 : vector<16xi32>
    %reduce_sum3A_595 = arith.constant true
    %reduce_sum3A_596 = vector.broadcast %reduce_sum3A_595 : i1 to vector<16xi1>
    %reduce_sum3A_597 = tpu.scan <sum>, %convert_element_type3A_588 masked %reduce_sum3A_596 : vector<16xi32>, vector<16xi1> -> vector<16xi32>
    %reduce_sum3A_598 = vector.extract %reduce_sum3A_597[15] : i32 from vector<16xi32>
    %add3A_599 = arith.addi %add3A_575, %reduce_sum3A_598 : i32
    %add3A_600 = arith.constant 112 : i32
    %add3A_601 = vector.broadcast %add3A_600 : i32 to vector<16xi32>
    %add3A_602 = arith.addi %add3A_601, %iota3A : vector<16xi32>
    %broadcast_in_dim3A_603 = arith.constant 2 : i32
    %broadcast_in_dim3A_604 = vector.broadcast %broadcast_in_dim3A_603 : i32 to vector<16xi32>
    tpu.vector_store_idx %arg8[%add3A_602, %broadcast_in_dim3A_604], %mul3A_594 : memref<128x4xi32, #tpu.memory_space<vmem>>[vector<16xi32>, vector<16xi32>], vector<16xi32>,
    %reduce_sum3A_605 = arith.constant true
    %reduce_sum3A_606 = vector.broadcast %reduce_sum3A_605 : i1 to vector<16xi1>
    %reduce_sum3A_607 = tpu.scan <sum>, %while3A_21#3 masked %reduce_sum3A_606 : vector<16xi32>, vector<16xi1> -> vector<16xi32>
    %reduce_sum3A_608 = vector.extract %reduce_sum3A_607[15] : i32 from vector<16xi32>
    %get3A_609 = arith.constant 3 : i32
    %get3A_610 = arith.index_cast %get3A_609 : i32 to index
    %get3A_611 = arith.constant 0 : index
    %get3A_612 = tpu.vector_load %arg6[%get3A_610, %get3A_611] {strides = array<i32>} : memref<4x128xi32, #tpu.memory_space<vmem>>, vector<16xi32>,
    %ne3A_613 = arith.constant 0 : i32
    %ne3A_614 = vector.broadcast %ne3A_613 : i32 to vector<16xi32>
    %ne3A_615 = arith.cmpi ne, %get3A_612, %ne3A_614 : vector<16xi32>
    %convert_element_type3A_616 = arith.extui %ne3A_615 : vector<16xi1> to vector<16xi32>
    %broadcast_in_dim3A_617 = arith.constant true
    %broadcast_in_dim3A_618 = vector.broadcast %broadcast_in_dim3A_617 : i1 to vector<16xi1>
    %masked_cumsum3A_619 = tpu.scan <sum>, %convert_element_type3A_616 masked %broadcast_in_dim3A_618 : vector<16xi32>, vector<16xi1> -> vector<16xi32>
    %add3A_620 = vector.broadcast %reduce_sum3A_608 : i32 to vector<16xi32>
    %add3A_621 = arith.addi %add3A_620, %masked_cumsum3A_619 : vector<16xi32>
    %mul3A_622 = arith.muli %add3A_621, %convert_element_type3A_616 : vector<16xi32>
    %reduce_sum3A_623 = arith.constant true
    %reduce_sum3A_624 = vector.broadcast %reduce_sum3A_623 : i1 to vector<16xi1>
    %reduce_sum3A_625 = tpu.scan <sum>, %convert_element_type3A_616 masked %reduce_sum3A_624 : vector<16xi32>, vector<16xi1> -> vector<16xi32>
    %reduce_sum3A_626 = vector.extract %reduce_sum3A_625[15] : i32 from vector<16xi32>
    %add3A_627 = arith.addi %reduce_sum3A_608, %reduce_sum3A_626 : i32
    %add3A_628 = arith.constant 0 : i32
    %add3A_629 = vector.broadcast %add3A_628 : i32 to vector<16xi32>
    %add3A_630 = arith.addi %add3A_629, %iota3A : vector<16xi32>
    %broadcast_in_dim3A_631 = arith.constant 3 : i32
    %broadcast_in_dim3A_632 = vector.broadcast %broadcast_in_dim3A_631 : i32 to vector<16xi32>
    tpu.vector_store_idx %arg8[%add3A_630, %broadcast_in_dim3A_632], %mul3A_622 : memref<128x4xi32, #tpu.memory_space<vmem>>[vector<16xi32>, vector<16xi32>], vector<16xi32>,
    %get3A_633 = arith.constant 3 : i32
    %get3A_634 = arith.index_cast %get3A_633 : i32 to index
    %get3A_635 = arith.constant 16 : index
    %get3A_636 = tpu.vector_load %arg6[%get3A_634, %get3A_635] {strides = array<i32>} : memref<4x128xi32, #tpu.memory_space<vmem>>, vector<16xi32>,
    %ne3A_637 = arith.constant 0 : i32
    %ne3A_638 = vector.broadcast %ne3A_637 : i32 to vector<16xi32>
    %ne3A_639 = arith.cmpi ne, %get3A_636, %ne3A_638 : vector<16xi32>
    %convert_element_type3A_640 = arith.extui %ne3A_639 : vector<16xi1> to vector<16xi32>
    %broadcast_in_dim3A_641 = arith.constant true
    %broadcast_in_dim3A_642 = vector.broadcast %broadcast_in_dim3A_641 : i1 to vector<16xi1>
    %masked_cumsum3A_643 = tpu.scan <sum>, %convert_element_type3A_640 masked %broadcast_in_dim3A_642 : vector<16xi32>, vector<16xi1> -> vector<16xi32>
    %add3A_644 = vector.broadcast %add3A_627 : i32 to vector<16xi32>
    %add3A_645 = arith.addi %add3A_644, %masked_cumsum3A_643 : vector<16xi32>
    %mul3A_646 = arith.muli %add3A_645, %convert_element_type3A_640 : vector<16xi32>
    %reduce_sum3A_647 = arith.constant true
    %reduce_sum3A_648 = vector.broadcast %reduce_sum3A_647 : i1 to vector<16xi1>
    %reduce_sum3A_649 = tpu.scan <sum>, %convert_element_type3A_640 masked %reduce_sum3A_648 : vector<16xi32>, vector<16xi1> -> vector<16xi32>
    %reduce_sum3A_650 = vector.extract %reduce_sum3A_649[15] : i32 from vector<16xi32>
    %add3A_651 = arith.addi %add3A_627, %reduce_sum3A_650 : i32
    %add3A_652 = arith.constant 16 : i32
    %add3A_653 = vector.broadcast %add3A_652 : i32 to vector<16xi32>
    %add3A_654 = arith.addi %add3A_653, %iota3A : vector<16xi32>
    %broadcast_in_dim3A_655 = arith.constant 3 : i32
    %broadcast_in_dim3A_656 = vector.broadcast %broadcast_in_dim3A_655 : i32 to vector<16xi32>
    tpu.vector_store_idx %arg8[%add3A_654, %broadcast_in_dim3A_656], %mul3A_646 : memref<128x4xi32, #tpu.memory_space<vmem>>[vector<16xi32>, vector<16xi32>], vector<16xi32>,
    %get3A_657 = arith.constant 3 : i32
    %get3A_658 = arith.index_cast %get3A_657 : i32 to index
    %get3A_659 = arith.constant 32 : index
    %get3A_660 = tpu.vector_load %arg6[%get3A_658, %get3A_659] {strides = array<i32>} : memref<4x128xi32, #tpu.memory_space<vmem>>, vector<16xi32>,
    %ne3A_661 = arith.constant 0 : i32
    %ne3A_662 = vector.broadcast %ne3A_661 : i32 to vector<16xi32>
    %ne3A_663 = arith.cmpi ne, %get3A_660, %ne3A_662 : vector<16xi32>
    %convert_element_type3A_664 = arith.extui %ne3A_663 : vector<16xi1> to vector<16xi32>
    %broadcast_in_dim3A_665 = arith.constant true
    %broadcast_in_dim3A_666 = vector.broadcast %broadcast_in_dim3A_665 : i1 to vector<16xi1>
    %masked_cumsum3A_667 = tpu.scan <sum>, %convert_element_type3A_664 masked %broadcast_in_dim3A_666 : vector<16xi32>, vector<16xi1> -> vector<16xi32>
    %add3A_668 = vector.broadcast %add3A_651 : i32 to vector<16xi32>
    %add3A_669 = arith.addi %add3A_668, %masked_cumsum3A_667 : vector<16xi32>
    %mul3A_670 = arith.muli %add3A_669, %convert_element_type3A_664 : vector<16xi32>
    %reduce_sum3A_671 = arith.constant true
    %reduce_sum3A_672 = vector.broadcast %reduce_sum3A_671 : i1 to vector<16xi1>
    %reduce_sum3A_673 = tpu.scan <sum>, %convert_element_type3A_664 masked %reduce_sum3A_672 : vector<16xi32>, vector<16xi1> -> vector<16xi32>
    %reduce_sum3A_674 = vector.extract %reduce_sum3A_673[15] : i32 from vector<16xi32>
    %add3A_675 = arith.addi %add3A_651, %reduce_sum3A_674 : i32
    %add3A_676 = arith.constant 32 : i32
    %add3A_677 = vector.broadcast %add3A_676 : i32 to vector<16xi32>
    %add3A_678 = arith.addi %add3A_677, %iota3A : vector<16xi32>
    %broadcast_in_dim3A_679 = arith.constant 3 : i32
    %broadcast_in_dim3A_680 = vector.broadcast %broadcast_in_dim3A_679 : i32 to vector<16xi32>
    tpu.vector_store_idx %arg8[%add3A_678, %broadcast_in_dim3A_680], %mul3A_670 : memref<128x4xi32, #tpu.memory_space<vmem>>[vector<16xi32>, vector<16xi32>], vector<16xi32>,
    %get3A_681 = arith.constant 3 : i32
    %get3A_682 = arith.index_cast %get3A_681 : i32 to index
    %get3A_683 = arith.constant 48 : index
    %get3A_684 = tpu.vector_load %arg6[%get3A_682, %get3A_683] {strides = array<i32>} : memref<4x128xi32, #tpu.memory_space<vmem>>, vector<16xi32>,
    %ne3A_685 = arith.constant 0 : i32
    %ne3A_686 = vector.broadcast %ne3A_685 : i32 to vector<16xi32>
    %ne3A_687 = arith.cmpi ne, %get3A_684, %ne3A_686 : vector<16xi32>
    %convert_element_type3A_688 = arith.extui %ne3A_687 : vector<16xi1> to vector<16xi32>
    %broadcast_in_dim3A_689 = arith.constant true
    %broadcast_in_dim3A_690 = vector.broadcast %broadcast_in_dim3A_689 : i1 to vector<16xi1>
    %masked_cumsum3A_691 = tpu.scan <sum>, %convert_element_type3A_688 masked %broadcast_in_dim3A_690 : vector<16xi32>, vector<16xi1> -> vector<16xi32>
    %add3A_692 = vector.broadcast %add3A_675 : i32 to vector<16xi32>
    %add3A_693 = arith.addi %add3A_692, %masked_cumsum3A_691 : vector<16xi32>
    %mul3A_694 = arith.muli %add3A_693, %convert_element_type3A_688 : vector<16xi32>
    %reduce_sum3A_695 = arith.constant true
    %reduce_sum3A_696 = vector.broadcast %reduce_sum3A_695 : i1 to vector<16xi1>
    %reduce_sum3A_697 = tpu.scan <sum>, %convert_element_type3A_688 masked %reduce_sum3A_696 : vector<16xi32>, vector<16xi1> -> vector<16xi32>
    %reduce_sum3A_698 = vector.extract %reduce_sum3A_697[15] : i32 from vector<16xi32>
    %add3A_699 = arith.addi %add3A_675, %reduce_sum3A_698 : i32
    %add3A_700 = arith.constant 48 : i32
    %add3A_701 = vector.broadcast %add3A_700 : i32 to vector<16xi32>
    %add3A_702 = arith.addi %add3A_701, %iota3A : vector<16xi32>
    %broadcast_in_dim3A_703 = arith.constant 3 : i32
    %broadcast_in_dim3A_704 = vector.broadcast %broadcast_in_dim3A_703 : i32 to vector<16xi32>
    tpu.vector_store_idx %arg8[%add3A_702, %broadcast_in_dim3A_704], %mul3A_694 : memref<128x4xi32, #tpu.memory_space<vmem>>[vector<16xi32>, vector<16xi32>], vector<16xi32>,
    %get3A_705 = arith.constant 3 : i32
    %get3A_706 = arith.index_cast %get3A_705 : i32 to index
    %get3A_707 = arith.constant 64 : index
    %get3A_708 = tpu.vector_load %arg6[%get3A_706, %get3A_707] {strides = array<i32>} : memref<4x128xi32, #tpu.memory_space<vmem>>, vector<16xi32>,
    %ne3A_709 = arith.constant 0 : i32
    %ne3A_710 = vector.broadcast %ne3A_709 : i32 to vector<16xi32>
    %ne3A_711 = arith.cmpi ne, %get3A_708, %ne3A_710 : vector<16xi32>
    %convert_element_type3A_712 = arith.extui %ne3A_711 : vector<16xi1> to vector<16xi32>
    %broadcast_in_dim3A_713 = arith.constant true
    %broadcast_in_dim3A_714 = vector.broadcast %broadcast_in_dim3A_713 : i1 to vector<16xi1>
    %masked_cumsum3A_715 = tpu.scan <sum>, %convert_element_type3A_712 masked %broadcast_in_dim3A_714 : vector<16xi32>, vector<16xi1> -> vector<16xi32>
    %add3A_716 = vector.broadcast %add3A_699 : i32 to vector<16xi32>
    %add3A_717 = arith.addi %add3A_716, %masked_cumsum3A_715 : vector<16xi32>
    %mul3A_718 = arith.muli %add3A_717, %convert_element_type3A_712 : vector<16xi32>
    %reduce_sum3A_719 = arith.constant true
    %reduce_sum3A_720 = vector.broadcast %reduce_sum3A_719 : i1 to vector<16xi1>
    %reduce_sum3A_721 = tpu.scan <sum>, %convert_element_type3A_712 masked %reduce_sum3A_720 : vector<16xi32>, vector<16xi1> -> vector<16xi32>
    %reduce_sum3A_722 = vector.extract %reduce_sum3A_721[15] : i32 from vector<16xi32>
    %add3A_723 = arith.addi %add3A_699, %reduce_sum3A_722 : i32
    %add3A_724 = arith.constant 64 : i32
    %add3A_725 = vector.broadcast %add3A_724 : i32 to vector<16xi32>
    %add3A_726 = arith.addi %add3A_725, %iota3A : vector<16xi32>
    %broadcast_in_dim3A_727 = arith.constant 3 : i32
    %broadcast_in_dim3A_728 = vector.broadcast %broadcast_in_dim3A_727 : i32 to vector<16xi32>
    tpu.vector_store_idx %arg8[%add3A_726, %broadcast_in_dim3A_728], %mul3A_718 : memref<128x4xi32, #tpu.memory_space<vmem>>[vector<16xi32>, vector<16xi32>], vector<16xi32>,
    %get3A_729 = arith.constant 3 : i32
    %get3A_730 = arith.index_cast %get3A_729 : i32 to index
    %get3A_731 = arith.constant 80 : index
    %get3A_732 = tpu.vector_load %arg6[%get3A_730, %get3A_731] {strides = array<i32>} : memref<4x128xi32, #tpu.memory_space<vmem>>, vector<16xi32>,
    %ne3A_733 = arith.constant 0 : i32
    %ne3A_734 = vector.broadcast %ne3A_733 : i32 to vector<16xi32>
    %ne3A_735 = arith.cmpi ne, %get3A_732, %ne3A_734 : vector<16xi32>
    %convert_element_type3A_736 = arith.extui %ne3A_735 : vector<16xi1> to vector<16xi32>
    %broadcast_in_dim3A_737 = arith.constant true
    %broadcast_in_dim3A_738 = vector.broadcast %broadcast_in_dim3A_737 : i1 to vector<16xi1>
    %masked_cumsum3A_739 = tpu.scan <sum>, %convert_element_type3A_736 masked %broadcast_in_dim3A_738 : vector<16xi32>, vector<16xi1> -> vector<16xi32>
    %add3A_740 = vector.broadcast %add3A_723 : i32 to vector<16xi32>
    %add3A_741 = arith.addi %add3A_740, %masked_cumsum3A_739 : vector<16xi32>
    %mul3A_742 = arith.muli %add3A_741, %convert_element_type3A_736 : vector<16xi32>
    %reduce_sum3A_743 = arith.constant true
    %reduce_sum3A_744 = vector.broadcast %reduce_sum3A_743 : i1 to vector<16xi1>
    %reduce_sum3A_745 = tpu.scan <sum>, %convert_element_type3A_736 masked %reduce_sum3A_744 : vector<16xi32>, vector<16xi1> -> vector<16xi32>
    %reduce_sum3A_746 = vector.extract %reduce_sum3A_745[15] : i32 from vector<16xi32>
    %add3A_747 = arith.addi %add3A_723, %reduce_sum3A_746 : i32
    %add3A_748 = arith.constant 80 : i32
    %add3A_749 = vector.broadcast %add3A_748 : i32 to vector<16xi32>
    %add3A_750 = arith.addi %add3A_749, %iota3A : vector<16xi32>
    %broadcast_in_dim3A_751 = arith.constant 3 : i32
    %broadcast_in_dim3A_752 = vector.broadcast %broadcast_in_dim3A_751 : i32 to vector<16xi32>
    tpu.vector_store_idx %arg8[%add3A_750, %broadcast_in_dim3A_752], %mul3A_742 : memref<128x4xi32, #tpu.memory_space<vmem>>[vector<16xi32>, vector<16xi32>], vector<16xi32>,
    %get3A_753 = arith.constant 3 : i32
    %get3A_754 = arith.index_cast %get3A_753 : i32 to index
    %get3A_755 = arith.constant 96 : index
    %get3A_756 = tpu.vector_load %arg6[%get3A_754, %get3A_755] {strides = array<i32>} : memref<4x128xi32, #tpu.memory_space<vmem>>, vector<16xi32>,
    %ne3A_757 = arith.constant 0 : i32
    %ne3A_758 = vector.broadcast %ne3A_757 : i32 to vector<16xi32>
    %ne3A_759 = arith.cmpi ne, %get3A_756, %ne3A_758 : vector<16xi32>
    %convert_element_type3A_760 = arith.extui %ne3A_759 : vector<16xi1> to vector<16xi32>
    %broadcast_in_dim3A_761 = arith.constant true
    %broadcast_in_dim3A_762 = vector.broadcast %broadcast_in_dim3A_761 : i1 to vector<16xi1>
    %masked_cumsum3A_763 = tpu.scan <sum>, %convert_element_type3A_760 masked %broadcast_in_dim3A_762 : vector<16xi32>, vector<16xi1> -> vector<16xi32>
    %add3A_764 = vector.broadcast %add3A_747 : i32 to vector<16xi32>
    %add3A_765 = arith.addi %add3A_764, %masked_cumsum3A_763 : vector<16xi32>
    %mul3A_766 = arith.muli %add3A_765, %convert_element_type3A_760 : vector<16xi32>
    %reduce_sum3A_767 = arith.constant true
    %reduce_sum3A_768 = vector.broadcast %reduce_sum3A_767 : i1 to vector<16xi1>
    %reduce_sum3A_769 = tpu.scan <sum>, %convert_element_type3A_760 masked %reduce_sum3A_768 : vector<16xi32>, vector<16xi1> -> vector<16xi32>
    %reduce_sum3A_770 = vector.extract %reduce_sum3A_769[15] : i32 from vector<16xi32>
    %add3A_771 = arith.addi %add3A_747, %reduce_sum3A_770 : i32
    %add3A_772 = arith.constant 96 : i32
    %add3A_773 = vector.broadcast %add3A_772 : i32 to vector<16xi32>
    %add3A_774 = arith.addi %add3A_773, %iota3A : vector<16xi32>
    %broadcast_in_dim3A_775 = arith.constant 3 : i32
    %broadcast_in_dim3A_776 = vector.broadcast %broadcast_in_dim3A_775 : i32 to vector<16xi32>
    tpu.vector_store_idx %arg8[%add3A_774, %broadcast_in_dim3A_776], %mul3A_766 : memref<128x4xi32, #tpu.memory_space<vmem>>[vector<16xi32>, vector<16xi32>], vector<16xi32>,
    %get3A_777 = arith.constant 3 : i32
    %get3A_778 = arith.index_cast %get3A_777 : i32 to index
    %get3A_779 = arith.constant 112 : index
    %get3A_780 = tpu.vector_load %arg6[%get3A_778, %get3A_779] {strides = array<i32>} : memref<4x128xi32, #tpu.memory_space<vmem>>, vector<16xi32>,
    %ne3A_781 = arith.constant 0 : i32
    %ne3A_782 = vector.broadcast %ne3A_781 : i32 to vector<16xi32>
    %ne3A_783 = arith.cmpi ne, %get3A_780, %ne3A_782 : vector<16xi32>
    %convert_element_type3A_784 = arith.extui %ne3A_783 : vector<16xi1> to vector<16xi32>
    %broadcast_in_dim3A_785 = arith.constant true
    %broadcast_in_dim3A_786 = vector.broadcast %broadcast_in_dim3A_785 : i1 to vector<16xi1>
    %masked_cumsum3A_787 = tpu.scan <sum>, %convert_element_type3A_784 masked %broadcast_in_dim3A_786 : vector<16xi32>, vector<16xi1> -> vector<16xi32>
    %add3A_788 = vector.broadcast %add3A_771 : i32 to vector<16xi32>
    %add3A_789 = arith.addi %add3A_788, %masked_cumsum3A_787 : vector<16xi32>
    %mul3A_790 = arith.muli %add3A_789, %convert_element_type3A_784 : vector<16xi32>
    %reduce_sum3A_791 = arith.constant true
    %reduce_sum3A_792 = vector.broadcast %reduce_sum3A_791 : i1 to vector<16xi1>
    %reduce_sum3A_793 = tpu.scan <sum>, %convert_element_type3A_784 masked %reduce_sum3A_792 : vector<16xi32>, vector<16xi1> -> vector<16xi32>
    %reduce_sum3A_794 = vector.extract %reduce_sum3A_793[15] : i32 from vector<16xi32>
    %add3A_795 = arith.addi %add3A_771, %reduce_sum3A_794 : i32
    %add3A_796 = arith.constant 112 : i32
    %add3A_797 = vector.broadcast %add3A_796 : i32 to vector<16xi32>
    %add3A_798 = arith.addi %add3A_797, %iota3A : vector<16xi32>
    %broadcast_in_dim3A_799 = arith.constant 3 : i32
    %broadcast_in_dim3A_800 = vector.broadcast %broadcast_in_dim3A_799 : i32 to vector<16xi32>
    tpu.vector_store_idx %arg8[%add3A_798, %broadcast_in_dim3A_800], %mul3A_790 : memref<128x4xi32, #tpu.memory_space<vmem>>[vector<16xi32>, vector<16xi32>], vector<16xi32>,
    %scan3A = arith.constant 0 : i32
    %scan3A_801 = arith.constant 0 : i32
    %scan3A_802 = arith.constant 35 : i32
    %scan3A_803 = arith.addi %scan3A_801, %scan3A_802 : i32
    %scan3A_804 = arith.constant 1 : i32
    scf.for %scan3A_937 = %scan3A_801 to %scan3A_803 step %scan3A_804  : i32 {
      %lt3A = arith.constant 32 : i32
      %lt3A_938 = arith.cmpi slt, %scan3A_937, %lt3A : i32
      %convert_element_type3A_939 = arith.extui %lt3A_938 : i1 to i32
      %cond3A = arith.constant 0 : i32
      %cond3A_940 = arith.cmpi ne, %convert_element_type3A_939, %cond3A : i32
      scf.if %cond3A_940 {
        %rem3A = arith.constant 6 : i32
        %rem3A_945 = arith.remsi %scan3A_937, %rem3A : i32
        %ge3A_946 = arith.constant 6 : i32
        %ge3A_947 = arith.cmpi sge, %scan3A_937, %ge3A_946 : i32
        %convert_element_type3A_948 = arith.extui %ge3A_947 : i1 to i32
        %cond3A_949 = arith.constant 0 : i32
        %cond3A_950 = arith.cmpi ne, %convert_element_type3A_948, %cond3A_949 : i32
        scf.if %cond3A_950 {
          %sub3A = arith.constant 6 : i32
          %sub3A_1018 = arith.subi %scan3A_937, %sub3A : i32
          %mul3A_1019 = arith.constant 4 : i32
          %mul3A_1020 = arith.muli %sub3A_1018, %mul3A_1019 : i32
          %add3A_1021 = arith.addi %mul3A_2, %mul3A_1020 : i32
          %dma_wait3A_1022 = arith.constant 0 : i32
          %dma_wait3A_1023 = arith.constant 0 : i32
          %dma_wait3A_1024 = arith.constant 0 : i32
          %dma_wait3A_1025 = tpu.memref_slice %arg9[%rem3A_945, %dma_wait3A_1022, %dma_wait3A_1023, %dma_wait3A_1024] : memref<6x4x4x1024xf32, #tpu.memory_space<vmem>> -> memref<1x4x4x1024xf32, #tpu.memory_space<vmem>>
          %dma_wait3A_1026 = tpu.memref_squeeze %dma_wait3A_1025 : memref<1x4x4x1024xf32, #tpu.memory_space<vmem>> -> memref<4x4x1024xf32, #tpu.memory_space<vmem>>
          %dma_wait3A_1027 = arith.constant 0 : i32
          %dma_wait3A_1028 = arith.constant 0 : i32
          %dma_wait3A_1029 = tpu.memref_slice %arg5[%add3A_1021, %dma_wait3A_1027, %dma_wait3A_1028] : memref<4096x4x1024xf32, #tpu.memory_space<hbm>> -> memref<4x4x1024xf32, #tpu.memory_space<hbm>>
          %dma_wait3A_1030 = tpu.memref_slice %arg11[%rem3A_945] : memref<6x!tpu.dma_semaphore, #tpu.memory_space<semaphore_mem>> -> memref<1x!tpu.dma_semaphore, #tpu.memory_space<semaphore_mem>>
          %dma_wait3A_1031 = tpu.memref_squeeze %dma_wait3A_1030 : memref<1x!tpu.dma_semaphore, #tpu.memory_space<semaphore_mem>> -> memref<!tpu.dma_semaphore, #tpu.memory_space<semaphore_mem>>
          %dma_wait3A_1032 = arith.constant 0 : i32
          %dma_wait3A_1033 = arith.constant 0 : i32
          %dma_wait3A_1034 = tpu.memref_slice %arg5[%add3A_1021, %dma_wait3A_1032, %dma_wait3A_1033] : memref<4096x4x1024xf32, #tpu.memory_space<hbm>> -> memref<4x4x1024xf32, #tpu.memory_space<hbm>>
          %dma_wait3A_1035 = arith.constant 0 : i32
          %dma_wait3A_1036 = arith.constant 0 : i32
          %dma_wait3A_1037 = arith.constant 0 : i32
          %dma_wait3A_1038 = tpu.memref_slice %arg9[%rem3A_945, %dma_wait3A_1035, %dma_wait3A_1036, %dma_wait3A_1037] : memref<6x4x4x1024xf32, #tpu.memory_space<vmem>> -> memref<1x4x4x1024xf32, #tpu.memory_space<vmem>>
          %dma_wait3A_1039 = tpu.memref_squeeze %dma_wait3A_1038 : memref<1x4x4x1024xf32, #tpu.memory_space<vmem>> -> memref<4x4x1024xf32, #tpu.memory_space<vmem>>
          tpu.wait_dma2 semaphore(%dma_wait3A_1031 : memref<!tpu.dma_semaphore, #tpu.memory_space<semaphore_mem>>) src(%dma_wait3A_1039 : memref<4x4x1024xf32, #tpu.memory_space<vmem>>) dst(%dma_wait3A_1034 : memref<4x4x1024xf32, #tpu.memory_space<hbm>>)
        } else {
        }
        %mul3A_951 = arith.constant 4 : i32
        %mul3A_952 = arith.muli %scan3A_937, %mul3A_951 : i32
        %add3A_953 = arith.constant 0 : i32
        %add3A_954 = arith.addi %mul3A_952, %add3A_953 : i32
        %mul3A_955 = arith.constant 4 : i32
        %mul3A_956 = arith.muli %scan3A_937, %mul3A_955 : i32
        %add3A_957 = arith.constant 1 : i32
        %add3A_958 = arith.addi %mul3A_956, %add3A_957 : i32
        %mul3A_959 = arith.constant 4 : i32
        %mul3A_960 = arith.muli %scan3A_937, %mul3A_959 : i32
        %add3A_961 = arith.constant 2 : i32
        %add3A_962 = arith.addi %mul3A_960, %add3A_961 : i32
        %mul3A_963 = arith.constant 4 : i32
        %mul3A_964 = arith.muli %scan3A_937, %mul3A_963 : i32
        %add3A_965 = arith.constant 3 : i32
        %add3A_966 = arith.addi %mul3A_964, %add3A_965 : i32
        %dma_start3A = arith.constant 0 : i32
        %dma_start3A_967 = arith.constant 0 : i32
        %dma_start3A_968 = arith.constant 0 : i32
        %dma_start3A_969 = tpu.memref_slice %arg9[%rem3A_945, %dma_start3A, %dma_start3A_967, %dma_start3A_968] : memref<6x4x4x1024xf32, #tpu.memory_space<vmem>> -> memref<1x1x4x1024xf32, #tpu.memory_space<vmem>>
        %dma_start3A_970 = tpu.memref_squeeze %dma_start3A_969 : memref<1x1x4x1024xf32, #tpu.memory_space<vmem>> -> memref<4x1024xf32, #tpu.memory_space<vmem>>
        %dma_start3A_971 = arith.constant 0 : i32
        %dma_start3A_972 = tpu.memref_slice %arg8[%add3A_954, %dma_start3A_971] : memref<128x4xi32, #tpu.memory_space<vmem>> -> memref<1x4xi32, #tpu.memory_space<vmem>>
        %dma_start3A_973 = tpu.memref_squeeze %dma_start3A_972 : memref<1x4xi32, #tpu.memory_space<vmem>> -> memref<4xi32, #tpu.memory_space<vmem>>
        %dma_start3A_974 = arith.constant 0 : i32
        %dma_start3A_975 = arith.constant 0 : i32
        %dma_start3A_976 = tpu.memref_slice %arg4[%dma_start3A_974, %dma_start3A_975] : memref<8192x1024xf32, #tpu.memory_space<hbm>> -> memref<8192x1024xf32, #tpu.memory_space<hbm>>
        %dma_start3A_977 = tpu.memref_slice %arg10[%rem3A_945] : memref<6x!tpu.dma_semaphore, #tpu.memory_space<semaphore_mem>> -> memref<1x!tpu.dma_semaphore, #tpu.memory_space<semaphore_mem>>
        %dma_start3A_978 = tpu.memref_squeeze %dma_start3A_977 : memref<1x!tpu.dma_semaphore, #tpu.memory_space<semaphore_mem>> -> memref<!tpu.dma_semaphore, #tpu.memory_space<semaphore_mem>>
        tpu.enqueue_indirect_dma source(%dma_start3A_976 : memref<8192x1024xf32, #tpu.memory_space<hbm>>) target(%dma_start3A_970 : memref<4x1024xf32, #tpu.memory_space<vmem>>) offsets(%dma_start3A_973 : memref<4xi32, #tpu.memory_space<vmem>>) semaphore(%dma_start3A_978 : memref<!tpu.dma_semaphore, #tpu.memory_space<semaphore_mem>>)
        %dma_start3A_979 = arith.constant 1 : i32
        %dma_start3A_980 = arith.constant 0 : i32
        %dma_start3A_981 = arith.constant 0 : i32
        %dma_start3A_982 = tpu.memref_slice %arg9[%rem3A_945, %dma_start3A_979, %dma_start3A_980, %dma_start3A_981] : memref<6x4x4x1024xf32, #tpu.memory_space<vmem>> -> memref<1x1x4x1024xf32, #tpu.memory_space<vmem>>
        %dma_start3A_983 = tpu.memref_squeeze %dma_start3A_982 : memref<1x1x4x1024xf32, #tpu.memory_space<vmem>> -> memref<4x1024xf32, #tpu.memory_space<vmem>>
        %dma_start3A_984 = arith.constant 0 : i32
        %dma_start3A_985 = tpu.memref_slice %arg8[%add3A_958, %dma_start3A_984] : memref<128x4xi32, #tpu.memory_space<vmem>> -> memref<1x4xi32, #tpu.memory_space<vmem>>
        %dma_start3A_986 = tpu.memref_squeeze %dma_start3A_985 : memref<1x4xi32, #tpu.memory_space<vmem>> -> memref<4xi32, #tpu.memory_space<vmem>>
        %dma_start3A_987 = arith.constant 0 : i32
        %dma_start3A_988 = arith.constant 0 : i32
        %dma_start3A_989 = tpu.memref_slice %arg4[%dma_start3A_987, %dma_start3A_988] : memref<8192x1024xf32, #tpu.memory_space<hbm>> -> memref<8192x1024xf32, #tpu.memory_space<hbm>>
        %dma_start3A_990 = tpu.memref_slice %arg10[%rem3A_945] : memref<6x!tpu.dma_semaphore, #tpu.memory_space<semaphore_mem>> -> memref<1x!tpu.dma_semaphore, #tpu.memory_space<semaphore_mem>>
        %dma_start3A_991 = tpu.memref_squeeze %dma_start3A_990 : memref<1x!tpu.dma_semaphore, #tpu.memory_space<semaphore_mem>> -> memref<!tpu.dma_semaphore, #tpu.memory_space<semaphore_mem>>
        tpu.enqueue_indirect_dma source(%dma_start3A_989 : memref<8192x1024xf32, #tpu.memory_space<hbm>>) target(%dma_start3A_983 : memref<4x1024xf32, #tpu.memory_space<vmem>>) offsets(%dma_start3A_986 : memref<4xi32, #tpu.memory_space<vmem>>) semaphore(%dma_start3A_991 : memref<!tpu.dma_semaphore, #tpu.memory_space<semaphore_mem>>)
        %dma_start3A_992 = arith.constant 2 : i32
        %dma_start3A_993 = arith.constant 0 : i32
        %dma_start3A_994 = arith.constant 0 : i32
        %dma_start3A_995 = tpu.memref_slice %arg9[%rem3A_945, %dma_start3A_992, %dma_start3A_993, %dma_start3A_994] : memref<6x4x4x1024xf32, #tpu.memory_space<vmem>> -> memref<1x1x4x1024xf32, #tpu.memory_space<vmem>>
        %dma_start3A_996 = tpu.memref_squeeze %dma_start3A_995 : memref<1x1x4x1024xf32, #tpu.memory_space<vmem>> -> memref<4x1024xf32, #tpu.memory_space<vmem>>
        %dma_start3A_997 = arith.constant 0 : i32
        %dma_start3A_998 = tpu.memref_slice %arg8[%add3A_962, %dma_start3A_997] : memref<128x4xi32, #tpu.memory_space<vmem>> -> memref<1x4xi32, #tpu.memory_space<vmem>>
        %dma_start3A_999 = tpu.memref_squeeze %dma_start3A_998 : memref<1x4xi32, #tpu.memory_space<vmem>> -> memref<4xi32, #tpu.memory_space<vmem>>
        %dma_start3A_1000 = arith.constant 0 : i32
        %dma_start3A_1001 = arith.constant 0 : i32
        %dma_start3A_1002 = tpu.memref_slice %arg4[%dma_start3A_1000, %dma_start3A_1001] : memref<8192x1024xf32, #tpu.memory_space<hbm>> -> memref<8192x1024xf32, #tpu.memory_space<hbm>>
        %dma_start3A_1003 = tpu.memref_slice %arg10[%rem3A_945] : memref<6x!tpu.dma_semaphore, #tpu.memory_space<semaphore_mem>> -> memref<1x!tpu.dma_semaphore, #tpu.memory_space<semaphore_mem>>
        %dma_start3A_1004 = tpu.memref_squeeze %dma_start3A_1003 : memref<1x!tpu.dma_semaphore, #tpu.memory_space<semaphore_mem>> -> memref<!tpu.dma_semaphore, #tpu.memory_space<semaphore_mem>>
        tpu.enqueue_indirect_dma source(%dma_start3A_1002 : memref<8192x1024xf32, #tpu.memory_space<hbm>>) target(%dma_start3A_996 : memref<4x1024xf32, #tpu.memory_space<vmem>>) offsets(%dma_start3A_999 : memref<4xi32, #tpu.memory_space<vmem>>) semaphore(%dma_start3A_1004 : memref<!tpu.dma_semaphore, #tpu.memory_space<semaphore_mem>>)
        %dma_start3A_1005 = arith.constant 3 : i32
        %dma_start3A_1006 = arith.constant 0 : i32
        %dma_start3A_1007 = arith.constant 0 : i32
        %dma_start3A_1008 = tpu.memref_slice %arg9[%rem3A_945, %dma_start3A_1005, %dma_start3A_1006, %dma_start3A_1007] : memref<6x4x4x1024xf32, #tpu.memory_space<vmem>> -> memref<1x1x4x1024xf32, #tpu.memory_space<vmem>>
        %dma_start3A_1009 = tpu.memref_squeeze %dma_start3A_1008 : memref<1x1x4x1024xf32, #tpu.memory_space<vmem>> -> memref<4x1024xf32, #tpu.memory_space<vmem>>
        %dma_start3A_1010 = arith.constant 0 : i32
        %dma_start3A_1011 = tpu.memref_slice %arg8[%add3A_966, %dma_start3A_1010] : memref<128x4xi32, #tpu.memory_space<vmem>> -> memref<1x4xi32, #tpu.memory_space<vmem>>
        %dma_start3A_1012 = tpu.memref_squeeze %dma_start3A_1011 : memref<1x4xi32, #tpu.memory_space<vmem>> -> memref<4xi32, #tpu.memory_space<vmem>>
        %dma_start3A_1013 = arith.constant 0 : i32
        %dma_start3A_1014 = arith.constant 0 : i32
        %dma_start3A_1015 = tpu.memref_slice %arg4[%dma_start3A_1013, %dma_start3A_1014] : memref<8192x1024xf32, #tpu.memory_space<hbm>> -> memref<8192x1024xf32, #tpu.memory_space<hbm>>
        %dma_start3A_1016 = tpu.memref_slice %arg10[%rem3A_945] : memref<6x!tpu.dma_semaphore, #tpu.memory_space<semaphore_mem>> -> memref<1x!tpu.dma_semaphore, #tpu.memory_space<semaphore_mem>>
        %dma_start3A_1017 = tpu.memref_squeeze %dma_start3A_1016 : memref<1x!tpu.dma_semaphore, #tpu.memory_space<semaphore_mem>> -> memref<!tpu.dma_semaphore, #tpu.memory_space<semaphore_mem>>
        tpu.enqueue_indirect_dma source(%dma_start3A_1015 : memref<8192x1024xf32, #tpu.memory_space<hbm>>) target(%dma_start3A_1009 : memref<4x1024xf32, #tpu.memory_space<vmem>>) offsets(%dma_start3A_1012 : memref<4xi32, #tpu.memory_space<vmem>>) semaphore(%dma_start3A_1017 : memref<!tpu.dma_semaphore, #tpu.memory_space<semaphore_mem>>)
      } else {
      }
      %ge3A = arith.constant 3 : i32
      %ge3A_941 = arith.cmpi sge, %scan3A_937, %ge3A : i32
      %convert_element_type3A_942 = arith.extui %ge3A_941 : i1 to i32
      %cond3A_943 = arith.constant 0 : i32
      %cond3A_944 = arith.cmpi ne, %convert_element_type3A_942, %cond3A_943 : i32
      scf.if %cond3A_944 {
        %sub3A = arith.constant 3 : i32
        %sub3A_945 = arith.subi %scan3A_937, %sub3A : i32
        %rem3A = arith.constant 6 : i32
        %rem3A_946 = arith.remsi %sub3A_945, %rem3A : i32
        %mul3A_947 = arith.constant 4 : i32
        %mul3A_948 = arith.muli %sub3A_945, %mul3A_947 : i32
        %add3A_949 = arith.constant 0 : i32
        %add3A_950 = arith.addi %mul3A_948, %add3A_949 : i32
        %mul3A_951 = arith.constant 4 : i32
        %mul3A_952 = arith.muli %sub3A_945, %mul3A_951 : i32
        %add3A_953 = arith.constant 1 : i32
        %add3A_954 = arith.addi %mul3A_952, %add3A_953 : i32
        %mul3A_955 = arith.constant 4 : i32
        %mul3A_956 = arith.muli %sub3A_945, %mul3A_955 : i32
        %add3A_957 = arith.constant 2 : i32
        %add3A_958 = arith.addi %mul3A_956, %add3A_957 : i32
        %mul3A_959 = arith.constant 4 : i32
        %mul3A_960 = arith.muli %sub3A_945, %mul3A_959 : i32
        %add3A_961 = arith.constant 3 : i32
        %add3A_962 = arith.addi %mul3A_960, %add3A_961 : i32
        %dma_wait3A_963 = arith.constant 0 : i32
        %dma_wait3A_964 = arith.constant 0 : i32
        %dma_wait3A_965 = arith.constant 0 : i32
        %dma_wait3A_966 = tpu.memref_slice %arg9[%rem3A_946, %dma_wait3A_963, %dma_wait3A_964, %dma_wait3A_965] : memref<6x4x4x1024xf32, #tpu.memory_space<vmem>> -> memref<1x1x4x1024xf32, #tpu.memory_space<vmem>>
        %dma_wait3A_967 = tpu.memref_squeeze %dma_wait3A_966 : memref<1x1x4x1024xf32, #tpu.memory_space<vmem>> -> memref<4x1024xf32, #tpu.memory_space<vmem>>
        %dma_wait3A_968 = arith.constant 0 : i32
        %dma_wait3A_969 = tpu.memref_slice %arg8[%add3A_950, %dma_wait3A_968] : memref<128x4xi32, #tpu.memory_space<vmem>> -> memref<1x4xi32, #tpu.memory_space<vmem>>
        %dma_wait3A_970 = tpu.memref_squeeze %dma_wait3A_969 : memref<1x4xi32, #tpu.memory_space<vmem>> -> memref<4xi32, #tpu.memory_space<vmem>>
        %dma_wait3A_971 = arith.constant 0 : i32
        %dma_wait3A_972 = arith.constant 0 : i32
        %dma_wait3A_973 = tpu.memref_slice %arg4[%dma_wait3A_971, %dma_wait3A_972] : memref<8192x1024xf32, #tpu.memory_space<hbm>> -> memref<8192x1024xf32, #tpu.memory_space<hbm>>
        %dma_wait3A_974 = tpu.memref_slice %arg10[%rem3A_946] : memref<6x!tpu.dma_semaphore, #tpu.memory_space<semaphore_mem>> -> memref<1x!tpu.dma_semaphore, #tpu.memory_space<semaphore_mem>>
        %dma_wait3A_975 = tpu.memref_squeeze %dma_wait3A_974 : memref<1x!tpu.dma_semaphore, #tpu.memory_space<semaphore_mem>> -> memref<!tpu.dma_semaphore, #tpu.memory_space<semaphore_mem>>
        tpu.wait_indirect_dma semaphore(%dma_wait3A_975 : memref<!tpu.dma_semaphore, #tpu.memory_space<semaphore_mem>>) src(%dma_wait3A_973 : memref<8192x1024xf32, #tpu.memory_space<hbm>>) dst(%dma_wait3A_967 : memref<4x1024xf32, #tpu.memory_space<vmem>>)
        %dma_wait3A_976 = arith.constant 1 : i32
        %dma_wait3A_977 = arith.constant 0 : i32
        %dma_wait3A_978 = arith.constant 0 : i32
        %dma_wait3A_979 = tpu.memref_slice %arg9[%rem3A_946, %dma_wait3A_976, %dma_wait3A_977, %dma_wait3A_978] : memref<6x4x4x1024xf32, #tpu.memory_space<vmem>> -> memref<1x1x4x1024xf32, #tpu.memory_space<vmem>>
        %dma_wait3A_980 = tpu.memref_squeeze %dma_wait3A_979 : memref<1x1x4x1024xf32, #tpu.memory_space<vmem>> -> memref<4x1024xf32, #tpu.memory_space<vmem>>
        %dma_wait3A_981 = arith.constant 0 : i32
        %dma_wait3A_982 = tpu.memref_slice %arg8[%add3A_954, %dma_wait3A_981] : memref<128x4xi32, #tpu.memory_space<vmem>> -> memref<1x4xi32, #tpu.memory_space<vmem>>
        %dma_wait3A_983 = tpu.memref_squeeze %dma_wait3A_982 : memref<1x4xi32, #tpu.memory_space<vmem>> -> memref<4xi32, #tpu.memory_space<vmem>>
        %dma_wait3A_984 = arith.constant 0 : i32
        %dma_wait3A_985 = arith.constant 0 : i32
        %dma_wait3A_986 = tpu.memref_slice %arg4[%dma_wait3A_984, %dma_wait3A_985] : memref<8192x1024xf32, #tpu.memory_space<hbm>> -> memref<8192x1024xf32, #tpu.memory_space<hbm>>
        %dma_wait3A_987 = tpu.memref_slice %arg10[%rem3A_946] : memref<6x!tpu.dma_semaphore, #tpu.memory_space<semaphore_mem>> -> memref<1x!tpu.dma_semaphore, #tpu.memory_space<semaphore_mem>>
        %dma_wait3A_988 = tpu.memref_squeeze %dma_wait3A_987 : memref<1x!tpu.dma_semaphore, #tpu.memory_space<semaphore_mem>> -> memref<!tpu.dma_semaphore, #tpu.memory_space<semaphore_mem>>
        tpu.wait_indirect_dma semaphore(%dma_wait3A_988 : memref<!tpu.dma_semaphore, #tpu.memory_space<semaphore_mem>>) src(%dma_wait3A_986 : memref<8192x1024xf32, #tpu.memory_space<hbm>>) dst(%dma_wait3A_980 : memref<4x1024xf32, #tpu.memory_space<vmem>>)
        %dma_wait3A_989 = arith.constant 2 : i32
        %dma_wait3A_990 = arith.constant 0 : i32
        %dma_wait3A_991 = arith.constant 0 : i32
        %dma_wait3A_992 = tpu.memref_slice %arg9[%rem3A_946, %dma_wait3A_989, %dma_wait3A_990, %dma_wait3A_991] : memref<6x4x4x1024xf32, #tpu.memory_space<vmem>> -> memref<1x1x4x1024xf32, #tpu.memory_space<vmem>>
        %dma_wait3A_993 = tpu.memref_squeeze %dma_wait3A_992 : memref<1x1x4x1024xf32, #tpu.memory_space<vmem>> -> memref<4x1024xf32, #tpu.memory_space<vmem>>
        %dma_wait3A_994 = arith.constant 0 : i32
        %dma_wait3A_995 = tpu.memref_slice %arg8[%add3A_958, %dma_wait3A_994] : memref<128x4xi32, #tpu.memory_space<vmem>> -> memref<1x4xi32, #tpu.memory_space<vmem>>
        %dma_wait3A_996 = tpu.memref_squeeze %dma_wait3A_995 : memref<1x4xi32, #tpu.memory_space<vmem>> -> memref<4xi32, #tpu.memory_space<vmem>>
        %dma_wait3A_997 = arith.constant 0 : i32
        %dma_wait3A_998 = arith.constant 0 : i32
        %dma_wait3A_999 = tpu.memref_slice %arg4[%dma_wait3A_997, %dma_wait3A_998] : memref<8192x1024xf32, #tpu.memory_space<hbm>> -> memref<8192x1024xf32, #tpu.memory_space<hbm>>
        %dma_wait3A_1000 = tpu.memref_slice %arg10[%rem3A_946] : memref<6x!tpu.dma_semaphore, #tpu.memory_space<semaphore_mem>> -> memref<1x!tpu.dma_semaphore, #tpu.memory_space<semaphore_mem>>
        %dma_wait3A_1001 = tpu.memref_squeeze %dma_wait3A_1000 : memref<1x!tpu.dma_semaphore, #tpu.memory_space<semaphore_mem>> -> memref<!tpu.dma_semaphore, #tpu.memory_space<semaphore_mem>>
        tpu.wait_indirect_dma semaphore(%dma_wait3A_1001 : memref<!tpu.dma_semaphore, #tpu.memory_space<semaphore_mem>>) src(%dma_wait3A_999 : memref<8192x1024xf32, #tpu.memory_space<hbm>>) dst(%dma_wait3A_993 : memref<4x1024xf32, #tpu.memory_space<vmem>>)
        %dma_wait3A_1002 = arith.constant 3 : i32
        %dma_wait3A_1003 = arith.constant 0 : i32
        %dma_wait3A_1004 = arith.constant 0 : i32
        %dma_wait3A_1005 = tpu.memref_slice %arg9[%rem3A_946, %dma_wait3A_1002, %dma_wait3A_1003, %dma_wait3A_1004] : memref<6x4x4x1024xf32, #tpu.memory_space<vmem>> -> memref<1x1x4x1024xf32, #tpu.memory_space<vmem>>
        %dma_wait3A_1006 = tpu.memref_squeeze %dma_wait3A_1005 : memref<1x1x4x1024xf32, #tpu.memory_space<vmem>> -> memref<4x1024xf32, #tpu.memory_space<vmem>>
        %dma_wait3A_1007 = arith.constant 0 : i32
        %dma_wait3A_1008 = tpu.memref_slice %arg8[%add3A_962, %dma_wait3A_1007] : memref<128x4xi32, #tpu.memory_space<vmem>> -> memref<1x4xi32, #tpu.memory_space<vmem>>
        %dma_wait3A_1009 = tpu.memref_squeeze %dma_wait3A_1008 : memref<1x4xi32, #tpu.memory_space<vmem>> -> memref<4xi32, #tpu.memory_space<vmem>>
        %dma_wait3A_1010 = arith.constant 0 : i32
        %dma_wait3A_1011 = arith.constant 0 : i32
        %dma_wait3A_1012 = tpu.memref_slice %arg4[%dma_wait3A_1010, %dma_wait3A_1011] : memref<8192x1024xf32, #tpu.memory_space<hbm>> -> memref<8192x1024xf32, #tpu.memory_space<hbm>>
        %dma_wait3A_1013 = tpu.memref_slice %arg10[%rem3A_946] : memref<6x!tpu.dma_semaphore, #tpu.memory_space<semaphore_mem>> -> memref<1x!tpu.dma_semaphore, #tpu.memory_space<semaphore_mem>>
        %dma_wait3A_1014 = tpu.memref_squeeze %dma_wait3A_1013 : memref<1x!tpu.dma_semaphore, #tpu.memory_space<semaphore_mem>> -> memref<!tpu.dma_semaphore, #tpu.memory_space<semaphore_mem>>
        tpu.wait_indirect_dma semaphore(%dma_wait3A_1014 : memref<!tpu.dma_semaphore, #tpu.memory_space<semaphore_mem>>) src(%dma_wait3A_1012 : memref<8192x1024xf32, #tpu.memory_space<hbm>>) dst(%dma_wait3A_1006 : memref<4x1024xf32, #tpu.memory_space<vmem>>)
        %mul3A_1015 = arith.constant 4 : i32
        %mul3A_1016 = arith.muli %sub3A_945, %mul3A_1015 : i32
        %add3A_1017 = arith.addi %mul3A_2, %mul3A_1016 : i32
        %dma_start3A = arith.constant 0 : i32
        %dma_start3A_1018 = arith.constant 0 : i32
        %dma_start3A_1019 = arith.constant 0 : i32
        %dma_start3A_1020 = tpu.memref_slice %arg9[%rem3A_946, %dma_start3A, %dma_start3A_1018, %dma_start3A_1019] : memref<6x4x4x1024xf32, #tpu.memory_space<vmem>> -> memref<1x4x4x1024xf32, #tpu.memory_space<vmem>>
        %dma_start3A_1021 = tpu.memref_squeeze %dma_start3A_1020 : memref<1x4x4x1024xf32, #tpu.memory_space<vmem>> -> memref<4x4x1024xf32, #tpu.memory_space<vmem>>
        %dma_start3A_1022 = arith.constant 0 : i32
        %dma_start3A_1023 = arith.constant 0 : i32
        %dma_start3A_1024 = tpu.memref_slice %arg5[%add3A_1017, %dma_start3A_1022, %dma_start3A_1023] : memref<4096x4x1024xf32, #tpu.memory_space<hbm>> -> memref<4x4x1024xf32, #tpu.memory_space<hbm>>
        %dma_start3A_1025 = tpu.memref_slice %arg11[%rem3A_946] : memref<6x!tpu.dma_semaphore, #tpu.memory_space<semaphore_mem>> -> memref<1x!tpu.dma_semaphore, #tpu.memory_space<semaphore_mem>>
        %dma_start3A_1026 = tpu.memref_squeeze %dma_start3A_1025 : memref<1x!tpu.dma_semaphore, #tpu.memory_space<semaphore_mem>> -> memref<!tpu.dma_semaphore, #tpu.memory_space<semaphore_mem>>
        %dma_start3A_1027 = arith.constant 0 : i32
        %dma_start3A_1028 = arith.constant 0 : i32
        %dma_start3A_1029 = tpu.memref_slice %arg5[%add3A_1017, %dma_start3A_1027, %dma_start3A_1028] : memref<4096x4x1024xf32, #tpu.memory_space<hbm>> -> memref<4x4x1024xf32, #tpu.memory_space<hbm>>
        %dma_start3A_1030 = arith.constant 0 : i32
        %dma_start3A_1031 = arith.constant 0 : i32
        %dma_start3A_1032 = arith.constant 0 : i32
        %dma_start3A_1033 = tpu.memref_slice %arg9[%rem3A_946, %dma_start3A_1030, %dma_start3A_1031, %dma_start3A_1032] : memref<6x4x4x1024xf32, #tpu.memory_space<vmem>> -> memref<1x4x4x1024xf32, #tpu.memory_space<vmem>>
        %dma_start3A_1034 = tpu.memref_squeeze %dma_start3A_1033 : memref<1x4x4x1024xf32, #tpu.memory_space<vmem>> -> memref<4x4x1024xf32, #tpu.memory_space<vmem>>
        tpu.enqueue_dma source(%dma_start3A_1034 : memref<4x4x1024xf32, #tpu.memory_space<vmem>>) target(%dma_start3A_1029 : memref<4x4x1024xf32, #tpu.memory_space<hbm>>) target_semaphore(%dma_start3A_1026 : memref<!tpu.dma_semaphore, #tpu.memory_space<semaphore_mem>>)
      } else {
      }
    }
    %scan3A_805 = arith.constant 35 : i32
    %add3A_806 = arith.constant 104 : i32
    %add3A_807 = arith.addi %mul3A_2, %add3A_806 : i32
    %dma_wait3A = arith.constant 2 : i32
    %dma_wait3A_808 = arith.constant 2 : i32
    %dma_wait3A_809 = arith.constant 0 : i32
    %dma_wait3A_810 = arith.constant 0 : i32
    %dma_wait3A_811 = arith.constant 0 : i32
    %dma_wait3A_812 = tpu.memref_slice %arg9[%dma_wait3A, %dma_wait3A_809, %dma_wait3A_810, %dma_wait3A_811] : memref<6x4x4x1024xf32, #tpu.memory_space<vmem>> -> memref<1x4x4x1024xf32, #tpu.memory_space<vmem>>
    %dma_wait3A_813 = tpu.memref_squeeze %dma_wait3A_812 : memref<1x4x4x1024xf32, #tpu.memory_space<vmem>> -> memref<4x4x1024xf32, #tpu.memory_space<vmem>>
    %dma_wait3A_814 = arith.constant 0 : i32
    %dma_wait3A_815 = arith.constant 0 : i32
    %dma_wait3A_816 = tpu.memref_slice %arg5[%add3A_807, %dma_wait3A_814, %dma_wait3A_815] : memref<4096x4x1024xf32, #tpu.memory_space<hbm>> -> memref<4x4x1024xf32, #tpu.memory_space<hbm>>
    %dma_wait3A_817 = tpu.memref_slice %arg11[%dma_wait3A_808] : memref<6x!tpu.dma_semaphore, #tpu.memory_space<semaphore_mem>> -> memref<1x!tpu.dma_semaphore, #tpu.memory_space<semaphore_mem>>
    %dma_wait3A_818 = tpu.memref_squeeze %dma_wait3A_817 : memref<1x!tpu.dma_semaphore, #tpu.memory_space<semaphore_mem>> -> memref<!tpu.dma_semaphore, #tpu.memory_space<semaphore_mem>>
    %dma_wait3A_819 = arith.constant 0 : i32
    %dma_wait3A_820 = arith.constant 0 : i32
    %dma_wait3A_821 = tpu.memref_slice %arg5[%add3A_807, %dma_wait3A_819, %dma_wait3A_820] : memref<4096x4x1024xf32, #tpu.memory_space<hbm>> -> memref<4x4x1024xf32, #tpu.memory_space<hbm>>
    %dma_wait3A_822 = arith.constant 0 : i32
    %dma_wait3A_823 = arith.constant 0 : i32
    %dma_wait3A_824 = arith.constant 0 : i32
    %dma_wait3A_825 = tpu.memref_slice %arg9[%dma_wait3A, %dma_wait3A_822, %dma_wait3A_823, %dma_wait3A_824] : memref<6x4x4x1024xf32, #tpu.memory_space<vmem>> -> memref<1x4x4x1024xf32, #tpu.memory_space<vmem>>
    %dma_wait3A_826 = tpu.memref_squeeze %dma_wait3A_825 : memref<1x4x4x1024xf32, #tpu.memory_space<vmem>> -> memref<4x4x1024xf32, #tpu.memory_space<vmem>>
    tpu.wait_dma2 semaphore(%dma_wait3A_818 : memref<!tpu.dma_semaphore, #tpu.memory_space<semaphore_mem>>) src(%dma_wait3A_826 : memref<4x4x1024xf32, #tpu.memory_space<vmem>>) dst(%dma_wait3A_821 : memref<4x4x1024xf32, #tpu.memory_space<hbm>>)
    %add3A_827 = arith.constant 108 : i32
    %add3A_828 = arith.addi %mul3A_2, %add3A_827 : i32
    %dma_wait3A_829 = arith.constant 3 : i32
    %dma_wait3A_830 = arith.constant 3 : i32
    %dma_wait3A_831 = arith.constant 0 : i32
    %dma_wait3A_832 = arith.constant 0 : i32
    %dma_wait3A_833 = arith.constant 0 : i32
    %dma_wait3A_834 = tpu.memref_slice %arg9[%dma_wait3A_829, %dma_wait3A_831, %dma_wait3A_832, %dma_wait3A_833] : memref<6x4x4x1024xf32, #tpu.memory_space<vmem>> -> memref<1x4x4x1024xf32, #tpu.memory_space<vmem>>
    %dma_wait3A_835 = tpu.memref_squeeze %dma_wait3A_834 : memref<1x4x4x1024xf32, #tpu.memory_space<vmem>> -> memref<4x4x1024xf32, #tpu.memory_space<vmem>>
    %dma_wait3A_836 = arith.constant 0 : i32
    %dma_wait3A_837 = arith.constant 0 : i32
    %dma_wait3A_838 = tpu.memref_slice %arg5[%add3A_828, %dma_wait3A_836, %dma_wait3A_837] : memref<4096x4x1024xf32, #tpu.memory_space<hbm>> -> memref<4x4x1024xf32, #tpu.memory_space<hbm>>
    %dma_wait3A_839 = tpu.memref_slice %arg11[%dma_wait3A_830] : memref<6x!tpu.dma_semaphore, #tpu.memory_space<semaphore_mem>> -> memref<1x!tpu.dma_semaphore, #tpu.memory_space<semaphore_mem>>
    %dma_wait3A_840 = tpu.memref_squeeze %dma_wait3A_839 : memref<1x!tpu.dma_semaphore, #tpu.memory_space<semaphore_mem>> -> memref<!tpu.dma_semaphore, #tpu.memory_space<semaphore_mem>>
    %dma_wait3A_841 = arith.constant 0 : i32
    %dma_wait3A_842 = arith.constant 0 : i32
    %dma_wait3A_843 = tpu.memref_slice %arg5[%add3A_828, %dma_wait3A_841, %dma_wait3A_842] : memref<4096x4x1024xf32, #tpu.memory_space<hbm>> -> memref<4x4x1024xf32, #tpu.memory_space<hbm>>
    %dma_wait3A_844 = arith.constant 0 : i32
    %dma_wait3A_845 = arith.constant 0 : i32
    %dma_wait3A_846 = arith.constant 0 : i32
    %dma_wait3A_847 = tpu.memref_slice %arg9[%dma_wait3A_829, %dma_wait3A_844, %dma_wait3A_845, %dma_wait3A_846] : memref<6x4x4x1024xf32, #tpu.memory_space<vmem>> -> memref<1x4x4x1024xf32, #tpu.memory_space<vmem>>
    %dma_wait3A_848 = tpu.memref_squeeze %dma_wait3A_847 : memref<1x4x4x1024xf32, #tpu.memory_space<vmem>> -> memref<4x4x1024xf32, #tpu.memory_space<vmem>>
    tpu.wait_dma2 semaphore(%dma_wait3A_840 : memref<!tpu.dma_semaphore, #tpu.memory_space<semaphore_mem>>) src(%dma_wait3A_848 : memref<4x4x1024xf32, #tpu.memory_space<vmem>>) dst(%dma_wait3A_843 : memref<4x4x1024xf32, #tpu.memory_space<hbm>>)
    %add3A_849 = arith.constant 112 : i32
    %add3A_850 = arith.addi %mul3A_2, %add3A_849 : i32
    %dma_wait3A_851 = arith.constant 4 : i32
    %dma_wait3A_852 = arith.constant 4 : i32
    %dma_wait3A_853 = arith.constant 0 : i32
    %dma_wait3A_854 = arith.constant 0 : i32
    %dma_wait3A_855 = arith.constant 0 : i32
    %dma_wait3A_856 = tpu.memref_slice %arg9[%dma_wait3A_851, %dma_wait3A_853, %dma_wait3A_854, %dma_wait3A_855] : memref<6x4x4x1024xf32, #tpu.memory_space<vmem>> -> memref<1x4x4x1024xf32, #tpu.memory_space<vmem>>
    %dma_wait3A_857 = tpu.memref_squeeze %dma_wait3A_856 : memref<1x4x4x1024xf32, #tpu.memory_space<vmem>> -> memref<4x4x1024xf32, #tpu.memory_space<vmem>>
    %dma_wait3A_858 = arith.constant 0 : i32
    %dma_wait3A_859 = arith.constant 0 : i32
    %dma_wait3A_860 = tpu.memref_slice %arg5[%add3A_850, %dma_wait3A_858, %dma_wait3A_859] : memref<4096x4x1024xf32, #tpu.memory_space<hbm>> -> memref<4x4x1024xf32, #tpu.memory_space<hbm>>
    %dma_wait3A_861 = tpu.memref_slice %arg11[%dma_wait3A_852] : memref<6x!tpu.dma_semaphore, #tpu.memory_space<semaphore_mem>> -> memref<1x!tpu.dma_semaphore, #tpu.memory_space<semaphore_mem>>
    %dma_wait3A_862 = tpu.memref_squeeze %dma_wait3A_861 : memref<1x!tpu.dma_semaphore, #tpu.memory_space<semaphore_mem>> -> memref<!tpu.dma_semaphore, #tpu.memory_space<semaphore_mem>>
    %dma_wait3A_863 = arith.constant 0 : i32
    %dma_wait3A_864 = arith.constant 0 : i32
    %dma_wait3A_865 = tpu.memref_slice %arg5[%add3A_850, %dma_wait3A_863, %dma_wait3A_864] : memref<4096x4x1024xf32, #tpu.memory_space<hbm>> -> memref<4x4x1024xf32, #tpu.memory_space<hbm>>
    %dma_wait3A_866 = arith.constant 0 : i32
    %dma_wait3A_867 = arith.constant 0 : i32
    %dma_wait3A_868 = arith.constant 0 : i32
    %dma_wait3A_869 = tpu.memref_slice %arg9[%dma_wait3A_851, %dma_wait3A_866, %dma_wait3A_867, %dma_wait3A_868] : memref<6x4x4x1024xf32, #tpu.memory_space<vmem>> -> memref<1x4x4x1024xf32, #tpu.memory_space<vmem>>
    %dma_wait3A_870 = tpu.memref_squeeze %dma_wait3A_869 : memref<1x4x4x1024xf32, #tpu.memory_space<vmem>> -> memref<4x4x1024xf32, #tpu.memory_space<vmem>>
    tpu.wait_dma2 semaphore(%dma_wait3A_862 : memref<!tpu.dma_semaphore, #tpu.memory_space<semaphore_mem>>) src(%dma_wait3A_870 : memref<4x4x1024xf32, #tpu.memory_space<vmem>>) dst(%dma_wait3A_865 : memref<4x4x1024xf32, #tpu.memory_space<hbm>>)
    %add3A_871 = arith.constant 116 : i32
    %add3A_872 = arith.addi %mul3A_2, %add3A_871 : i32
    %dma_wait3A_873 = arith.constant 5 : i32
    %dma_wait3A_874 = arith.constant 5 : i32
    %dma_wait3A_875 = arith.constant 0 : i32
    %dma_wait3A_876 = arith.constant 0 : i32
    %dma_wait3A_877 = arith.constant 0 : i32
    %dma_wait3A_878 = tpu.memref_slice %arg9[%dma_wait3A_873, %dma_wait3A_875, %dma_wait3A_876, %dma_wait3A_877] : memref<6x4x4x1024xf32, #tpu.memory_space<vmem>> -> memref<1x4x4x1024xf32, #tpu.memory_space<vmem>>
    %dma_wait3A_879 = tpu.memref_squeeze %dma_wait3A_878 : memref<1x4x4x1024xf32, #tpu.memory_space<vmem>> -> memref<4x4x1024xf32, #tpu.memory_space<vmem>>
    %dma_wait3A_880 = arith.constant 0 : i32
    %dma_wait3A_881 = arith.constant 0 : i32
    %dma_wait3A_882 = tpu.memref_slice %arg5[%add3A_872, %dma_wait3A_880, %dma_wait3A_881] : memref<4096x4x1024xf32, #tpu.memory_space<hbm>> -> memref<4x4x1024xf32, #tpu.memory_space<hbm>>
    %dma_wait3A_883 = tpu.memref_slice %arg11[%dma_wait3A_874] : memref<6x!tpu.dma_semaphore, #tpu.memory_space<semaphore_mem>> -> memref<1x!tpu.dma_semaphore, #tpu.memory_space<semaphore_mem>>
    %dma_wait3A_884 = tpu.memref_squeeze %dma_wait3A_883 : memref<1x!tpu.dma_semaphore, #tpu.memory_space<semaphore_mem>> -> memref<!tpu.dma_semaphore, #tpu.memory_space<semaphore_mem>>
    %dma_wait3A_885 = arith.constant 0 : i32
    %dma_wait3A_886 = arith.constant 0 : i32
    %dma_wait3A_887 = tpu.memref_slice %arg5[%add3A_872, %dma_wait3A_885, %dma_wait3A_886] : memref<4096x4x1024xf32, #tpu.memory_space<hbm>> -> memref<4x4x1024xf32, #tpu.memory_space<hbm>>
    %dma_wait3A_888 = arith.constant 0 : i32
    %dma_wait3A_889 = arith.constant 0 : i32
    %dma_wait3A_890 = arith.constant 0 : i32
    %dma_wait3A_891 = tpu.memref_slice %arg9[%dma_wait3A_873, %dma_wait3A_888, %dma_wait3A_889, %dma_wait3A_890] : memref<6x4x4x1024xf32, #tpu.memory_space<vmem>> -> memref<1x4x4x1024xf32, #tpu.memory_space<vmem>>
    %dma_wait3A_892 = tpu.memref_squeeze %dma_wait3A_891 : memref<1x4x4x1024xf32, #tpu.memory_space<vmem>> -> memref<4x4x1024xf32, #tpu.memory_space<vmem>>
    tpu.wait_dma2 semaphore(%dma_wait3A_884 : memref<!tpu.dma_semaphore, #tpu.memory_space<semaphore_mem>>) src(%dma_wait3A_892 : memref<4x4x1024xf32, #tpu.memory_space<vmem>>) dst(%dma_wait3A_887 : memref<4x4x1024xf32, #tpu.memory_space<hbm>>)
    %add3A_893 = arith.constant 120 : i32
    %add3A_894 = arith.addi %mul3A_2, %add3A_893 : i32
    %dma_wait3A_895 = arith.constant 0 : i32
    %dma_wait3A_896 = arith.constant 0 : i32
    %dma_wait3A_897 = arith.constant 0 : i32
    %dma_wait3A_898 = arith.constant 0 : i32
    %dma_wait3A_899 = arith.constant 0 : i32
    %dma_wait3A_900 = tpu.memref_slice %arg9[%dma_wait3A_895, %dma_wait3A_897, %dma_wait3A_898, %dma_wait3A_899] : memref<6x4x4x1024xf32, #tpu.memory_space<vmem>> -> memref<1x4x4x1024xf32, #tpu.memory_space<vmem>>
    %dma_wait3A_901 = tpu.memref_squeeze %dma_wait3A_900 : memref<1x4x4x1024xf32, #tpu.memory_space<vmem>> -> memref<4x4x1024xf32, #tpu.memory_space<vmem>>
    %dma_wait3A_902 = arith.constant 0 : i32
    %dma_wait3A_903 = arith.constant 0 : i32
    %dma_wait3A_904 = tpu.memref_slice %arg5[%add3A_894, %dma_wait3A_902, %dma_wait3A_903] : memref<4096x4x1024xf32, #tpu.memory_space<hbm>> -> memref<4x4x1024xf32, #tpu.memory_space<hbm>>
    %dma_wait3A_905 = tpu.memref_slice %arg11[%dma_wait3A_896] : memref<6x!tpu.dma_semaphore, #tpu.memory_space<semaphore_mem>> -> memref<1x!tpu.dma_semaphore, #tpu.memory_space<semaphore_mem>>
    %dma_wait3A_906 = tpu.memref_squeeze %dma_wait3A_905 : memref<1x!tpu.dma_semaphore, #tpu.memory_space<semaphore_mem>> -> memref<!tpu.dma_semaphore, #tpu.memory_space<semaphore_mem>>
    %dma_wait3A_907 = arith.constant 0 : i32
    %dma_wait3A_908 = arith.constant 0 : i32
    %dma_wait3A_909 = tpu.memref_slice %arg5[%add3A_894, %dma_wait3A_907, %dma_wait3A_908] : memref<4096x4x1024xf32, #tpu.memory_space<hbm>> -> memref<4x4x1024xf32, #tpu.memory_space<hbm>>
    %dma_wait3A_910 = arith.constant 0 : i32
    %dma_wait3A_911 = arith.constant 0 : i32
    %dma_wait3A_912 = arith.constant 0 : i32
    %dma_wait3A_913 = tpu.memref_slice %arg9[%dma_wait3A_895, %dma_wait3A_910, %dma_wait3A_911, %dma_wait3A_912] : memref<6x4x4x1024xf32, #tpu.memory_space<vmem>> -> memref<1x4x4x1024xf32, #tpu.memory_space<vmem>>
    %dma_wait3A_914 = tpu.memref_squeeze %dma_wait3A_913 : memref<1x4x4x1024xf32, #tpu.memory_space<vmem>> -> memref<4x4x1024xf32, #tpu.memory_space<vmem>>
    tpu.wait_dma2 semaphore(%dma_wait3A_906 : memref<!tpu.dma_semaphore, #tpu.memory_space<semaphore_mem>>) src(%dma_wait3A_914 : memref<4x4x1024xf32, #tpu.memory_space<vmem>>) dst(%dma_wait3A_909 : memref<4x4x1024xf32, #tpu.memory_space<hbm>>)
    %add3A_915 = arith.constant 124 : i32
    %add3A_916 = arith.addi %mul3A_2, %add3A_915 : i32
    %dma_wait3A_917 = arith.constant 1 : i32
    %dma_wait3A_918 = arith.constant 1 : i32
    %dma_wait3A_919 = arith.constant 0 : i32
    %dma_wait3A_920 = arith.constant 0 : i32
    %dma_wait3A_921 = arith.constant 0 : i32
    %dma_wait3A_922 = tpu.memref_slice %arg9[%dma_wait3A_917, %dma_wait3A_919, %dma_wait3A_920, %dma_wait3A_921] : memref<6x4x4x1024xf32, #tpu.memory_space<vmem>> -> memref<1x4x4x1024xf32, #tpu.memory_space<vmem>>
    %dma_wait3A_923 = tpu.memref_squeeze %dma_wait3A_922 : memref<1x4x4x1024xf32, #tpu.memory_space<vmem>> -> memref<4x4x1024xf32, #tpu.memory_space<vmem>>
    %dma_wait3A_924 = arith.constant 0 : i32
    %dma_wait3A_925 = arith.constant 0 : i32
    %dma_wait3A_926 = tpu.memref_slice %arg5[%add3A_916, %dma_wait3A_924, %dma_wait3A_925] : memref<4096x4x1024xf32, #tpu.memory_space<hbm>> -> memref<4x4x1024xf32, #tpu.memory_space<hbm>>
    %dma_wait3A_927 = tpu.memref_slice %arg11[%dma_wait3A_918] : memref<6x!tpu.dma_semaphore, #tpu.memory_space<semaphore_mem>> -> memref<1x!tpu.dma_semaphore, #tpu.memory_space<semaphore_mem>>
    %dma_wait3A_928 = tpu.memref_squeeze %dma_wait3A_927 : memref<1x!tpu.dma_semaphore, #tpu.memory_space<semaphore_mem>> -> memref<!tpu.dma_semaphore, #tpu.memory_space<semaphore_mem>>
    %dma_wait3A_929 = arith.constant 0 : i32
    %dma_wait3A_930 = arith.constant 0 : i32
    %dma_wait3A_931 = tpu.memref_slice %arg5[%add3A_916, %dma_wait3A_929, %dma_wait3A_930] : memref<4096x4x1024xf32, #tpu.memory_space<hbm>> -> memref<4x4x1024xf32, #tpu.memory_space<hbm>>
    %dma_wait3A_932 = arith.constant 0 : i32
    %dma_wait3A_933 = arith.constant 0 : i32
    %dma_wait3A_934 = arith.constant 0 : i32
    %dma_wait3A_935 = tpu.memref_slice %arg9[%dma_wait3A_917, %dma_wait3A_932, %dma_wait3A_933, %dma_wait3A_934] : memref<6x4x4x1024xf32, #tpu.memory_space<vmem>> -> memref<1x4x4x1024xf32, #tpu.memory_space<vmem>>
    %dma_wait3A_936 = tpu.memref_squeeze %dma_wait3A_935 : memref<1x4x4x1024xf32, #tpu.memory_space<vmem>> -> memref<4x4x1024xf32, #tpu.memory_space<vmem>>
    tpu.wait_dma2 semaphore(%dma_wait3A_928 : memref<!tpu.dma_semaphore, #tpu.memory_space<semaphore_mem>>) src(%dma_wait3A_936 : memref<4x4x1024xf32, #tpu.memory_space<vmem>>) dst(%dma_wait3A_931 : memref<4x4x1024xf32, #tpu.memory_space<hbm>>)
    return
  }
}

</mosaic_0001>

<sc_bundles>
// kernel: _run.3.cloned.1.call-start
scs
__scs_entry_jumppad:
0x0: {  	(pc) =	sbr.rel $0x88, $3  }
0x1: {  	(tag) =	ssettag $0x0;
	lr =	simm.s32 $0x1  }
0x2: {  	[smem:$0x3F9E] =	sst lr;
	_ =	strace $0xD0000000  }
0x3: {  	_ = 	snop  }
0x4: {  	_ = 	snop  }
0x5: {  	_ = 	snop  }
0x6: {  	_ = 	snop  }
0x7: {  	_ = 	snop  }
__scs_overlays_trampoline_lowered:
0x8: {  	[smem:$0x3FAD] =	sst s0  }
0x9: {  	[smem:$0x3FAE] =	sst s1  }
0xa: {  	[smem:$0x3FAF] =	sst s2  }
0xb: {  	[smem:$0x3FB0] =	sst s3  }
0xc: {  	[smem:$0x3FB1] =	sst s4  }
0xd: {  	[smem:$0x3FB2] =	sst s5  }
0xe: {  	[smem:$0x3FB3] =	sst s6  }
0xf: {  	[smem:$0x3FB4] =	sst s7  }
0x10: {  	[smem:$0x3FB5] =	sst s8  }
0x11: {  	[smem:$0x3FB6] =	sst s9;
	s0 =	simm.s32 @!p0 $0x0  }
0x12: {  	s1 =	sld [smem:$0x3F9C];
	s0 =	simm.s32 @p0 $0x1  }
0x13: {  	[smem:$0x3FB7] =	sst s0;
	s0 =	simm.s32 @!p1 $0x0  }
0x14: {  	s2 =	sld [smem:$0x3F9B];
	s0 =	simm.s32 @p1 $0x1  }
0x15: {  	[smem:$0x3FB8] =	sst s0;
	s0 =	simm.s32 @!p2 $0x0  }
0x16: {  	s3 =	sld [smem:$0x3FDB];
	s0 =	simm.s32 @p2 $0x1  }
0x17: {  	s4 =	simm.s32 $0x1BF5;
	[smem:$0x3FBA] =	sst s0  }
0x18: {  	s0 =	sld [smem:$0x3F9D];
	_ =	swait.ge [sflag:s4], $0x0  }
0x19: {  	s7 =	sld [smem:$0x3F9E]  }
0x1a: {  	s8 =	sadd.s32 $0xFFFFE003, lr  }
0x1b: {  	s9 =	sadd.s32 $0xFFFFFEF7, lr;
	s5 =	simm.s32 $0xFFFFFFFF;
	p2 =	slt.u32 s8, $0xFFFFF086  }
0x1c: {  	p1 =	slt.u32 s9, $0xF7A;
	s5 =	simm.s32 @!p2 $0x0  }
0x1d: {  	s5 =	simm.s32 @p1 $0x1;
	p0 =	seq.s32 s7, s2  }
0x1e: {  	s7 =	smul.u32 @!p0 $0xF7A, s2;
	p2 =	seq.s32 @!p0 s5, $0x0  }
0x1f: {  	s9 =	smul.u32 $0xF7A, s1;
	s8 =	simm.s32 @!p0 $0x1BF5;
	p2 =	por !p2, p0  }
0x20: {  	[sflag:s8] =	ssyncset.s32 @!p0 $0xFFFFF086;
	s6 =	sadd.s32 @!p0 s3, s7;
	s7 =	simm.s32 @!p0 $0x108  }
0x21: {  	s3 =	sadd.s32 s3, s9;
	s6 =	sadd.s32 @!p0 $0x88, s6;
	s7 =	simm.s32 @p2 $0x1082  }
0x22: {  	[simem:s7], [sflag:s8] =	dma.local @!p0 [hbm:s6], $0xF7A  }
0x23: {  	s9 =	sor.u32 $0xD0000000, s2;
	s6 =	simm.s32 $0x108;
	_ =	swait.ge @!p0 [sflag:s8], $0x0  }
0x24: {  	s3 =	sadd.s32 $0x88, s3;
	s6 =	simm.s32 @!p1 $0x1082;
	[sflag:s4] =	ssyncset.s32 $0xFFFFF086  }
0x25: {  	[simem:s6], [sflag:s4] =	dma.local [hbm:s3], $0xF7A  }
0x26: {  	[smem:$0x3F9E] =	sst s1;
	(tag) =	ssettag s2;
	_ =	strace s9  }
0x27: {  	s1 =	sld [smem:$0x3FAE]  }
0x28: {  	s2 =	sld [smem:$0x3FAF]  }
0x29: {  	s4 =	sld [smem:$0x3FB1]  }
0x2a: {  	p0 =	seq.s32 s5, $0x0;
	s5 =	sld [smem:$0x3FB2]  }
0x2b: {  	s6 =	sld [smem:$0x3FB3]  }
0x2c: {  	s7 =	sld [smem:$0x3FB4]  }
0x2d: {  	s3 =	simm.s32 $0x108;
	s8 =	sld [smem:$0x3FB5]  }
0x2e: {  	s3 =	simm.s32 @!p0 $0x1082;
	s9 =	sld [smem:$0x3FB6]  }
0x2f: {  	lr =	sadd.s32 s0, s3;
	s0 =	sld [smem:$0x3FAD]  }
0x30: {  	s3 =	sld [smem:$0x3FB0]  }
0x31: {  	[smem:$0x3FB9] =	sst s10  }
0x32: {  	s10 =	sld [smem:$0x3FB7];
	_ =	sdelay $0x3  }
0x33: {  	p0 =	seq.s32 s10, $0x1;
	s10 =	sld [smem:$0x3FB9];
	_ =	sdelay $0x3  }
0x34: {  	[smem:$0x3FB9] =	sst s10  }
0x35: {  	s10 =	sld [smem:$0x3FB8];
	_ =	sdelay $0x3  }
0x36: {  	p1 =	seq.s32 s10, $0x1;
	s10 =	sld [smem:$0x3FB9];
	_ =	sdelay $0x3  }
0x37: {  	[smem:$0x3FB9] =	sst s10  }
0x38: {  	s10 =	sld [smem:$0x3FBA]  }
0x39: {  	_ = 	snop;
	(pc) =	sbr.ind lr, $3  }
0x3a: {  	_ = 	snop  }
0x3b: {  	_ = 	snop  }
0x3c: {  	p2 =	seq.s32 s10, $0x1;
	s10 =	sld [smem:$0x3FB9]  }
0x3d: {  	_ =	shalt  }
0x3e: {  	_ =	shalt  }
0x3f: {  	_ =	shalt  }
0x40: {  	_ =	shalt  }
0x41: {  	_ =	shalt  }
0x42: {  	_ =	shalt  }
0x43: {  	_ =	shalt  }
0x44: {  	_ =	shalt  }
0x45: {  	_ =	shalt  }
0x46: {  	_ =	shalt  }
0x47: {  	_ =	shalt  }
0x48: {  	_ =	shalt  }
0x49: {  	_ =	shalt  }
0x4a: {  	_ =	shalt  }
0x4b: {  	_ =	shalt  }
0x4c: {  	_ =	shalt  }
0x4d: {  	_ =	shalt  }
0x4e: {  	_ =	shalt  }
0x4f: {  	_ =	shalt  }
0x50: {  	_ =	shalt  }
0x51: {  	_ =	shalt  }
0x52: {  	_ =	shalt  }
0x53: {  	_ =	shalt  }
0x54: {  	_ =	shalt  }
0x55: {  	_ =	shalt  }
0x56: {  	_ =	shalt  }
0x57: {  	_ =	shalt  }
0x58: {  	_ =	shalt  }
0x59: {  	_ =	shalt  }
0x5a: {  	_ =	shalt  }
0x5b: {  	_ =	shalt  }
0x5c: {  	_ =	shalt  }
0x5d: {  	_ =	shalt  }
0x5e: {  	_ =	shalt  }
0x5f: {  	_ =	shalt  }
0x60: {  	_ =	shalt  }
0x61: {  	_ =	shalt  }
0x62: {  	_ =	shalt  }
0x63: {  	_ =	shalt  }
0x64: {  	_ =	shalt  }
0x65: {  	_ =	shalt  }
0x66: {  	_ =	shalt  }
0x67: {  	_ =	shalt  }
0x68: {  	_ =	shalt  }
0x69: {  	_ =	shalt  }
0x6a: {  	_ =	shalt  }
0x6b: {  	_ =	shalt  }
0x6c: {  	_ =	shalt  }
0x6d: {  	_ =	shalt  }
0x6e: {  	_ =	shalt  }
0x6f: {  	_ =	shalt  }
0x70: {  	_ =	shalt  }
0x71: {  	_ =	shalt  }
0x72: {  	_ =	shalt  }
0x73: {  	_ =	shalt  }
0x74: {  	_ =	shalt  }
0x75: {  	_ =	shalt  }
0x76: {  	_ =	shalt  }
0x77: {  	_ =	shalt  }
0x78: {  	_ =	shalt  }
0x79: {  	_ =	shalt  }
0x7a: {  	_ =	shalt  }
0x7b: {  	_ =	shalt  }
0x7c: {  	_ =	shalt  }
0x7d: {  	_ =	shalt  }
0x7e: {  	_ =	shalt  }
0x7f: {  	_ =	shalt  }
0x80: {  	_ =	shalt  }
0x81: {  	_ =	shalt  }
0x82: {  	_ =	shalt  }
0x83: {  	_ =	shalt  }
0x84: {  	_ =	shalt  }
0x85: {  	_ =	shalt  }
0x86: {  	_ =	shalt  }
0x87: {  	_ =	shalt  }
.Lfunc_end0:
.L_simem_size_0:
called_computation_lowered:
.L_overlay_start_0:
0x88: {  	s2 =	sld [smem:$0x3FD9]  }
0x89: {  	s3 =	sld [smem:$0x3FFE];
	_ =	sdelay $0x1  }
0x8a: {  	s1 =	srdreg.scid  }
0x8b: {  	s0 =	sand.u32 $0x1, s1  }
0x8c: {  	s18 =	sshll.u32 s0, $0xA;
	s2 =	sadd.s32 s3, s2  }
0x8d: {  	s2 =	sadd.s32 s2, s18  }
0x8e: {  	[smem:$0x3FC5] =	sst s2  }
0x8f: {  	_ = 	snop  }
0x90: {  	s2 =	sld [smem:$0x3FC9]  }
0x91: {  	s19 =	sld [smem:$0x3FC8]  }
0x92: {  	s4 =	sld [smem:$0x3FC7]  }
0x93: {  	s5 =	sld [smem:$0x3FD0];
	(tm) =	ssettm $0x1  }
0x94: {  	s6 =	sld [smem:$0x3FFB];
	_ =	sdelay $0x3  }
0x95: {  	_ =	strace s6  }
0x96: {  	s6 =	sld [smem:$0x3FFC];
	_ =	sdelay $0x3  }
0x97: {  	_ =	strace s6  }
0x98: {  	s6 =	sld [smem:$0x3FFD];
	_ =	sdelay $0x3  }
0x99: {  	_ =	strace s6  }
0x9a: {  	_ =	strace $0x8FFFFFFF  }
0x9b: {  	s20 =	sld [smem:$0x3FDB];
	_ =	sdelay $0x1  }
0x9c: {  	s7 =	simm.s32 $_scs_section_size  }
0x9d: {  	s8 =	simm.s32 $_size__tile_overlayer_lowered;
	s9 =	simm.s32 $_tile_overlayer_lowered  }
0x9e: {  	s23 =	simm.s32 $0x1BFF;
	s22 =	sshll.u32 s9, $0x1;
	s6 =	sadd.s32 s7, s20  }
0x9f: {  	s10 =	simm.s32 $0x0;
	s21 =	sshll.u32 s8, $0x1;
	s8 =	sadd.s32 s22, s6  }
0xa0: {  	[timem:s10], [sflag:s23] =	dma.local [hbm:s8], s21  }
0xa1: {  	_ =	swait.ge [sflag:s23], s21  }
0xa2: {  	s7 =	ssub.s32 $0x0, s21;
	[sflag:s23] =	ssyncset.done $0x0  }
0xa3: {  	[sflag:s23] =	ssyncadd.s32 s7;
	_ =	sdelay $0x1  }
0xa4: {  	s24 =	simm.s32 $0x1B8B  }
0xa5: {  	_ =	swait.ge [sflag:s24], $0x1  }
0xa6: {  	[sflag:s24] =	ssyncset.done $0x0  }
0xa7: {  	s25 =	simm.s32 $0x1B8E;
	[sflag:s24] =	ssyncadd.s32 $0xFFFFFFFF  }
0xa8: {  	s26 =	simm.s32 $execute0_lowered;
	[smem:$0x3FD2] =	sst s25  }
0xa9: {  	s7 =	sshll.u32 s26, $0x1;
	_ =	strace $0x80000046;
	[dreg:$0x1] =	wrdreg $0xFFFFFFFF  }
0xaa: {  	s28 =	simm.s32 $_size_execute0_lowered;
	s6 =	sadd.s32 s6, s7;
	[dreg:$0x0] =	wrdreg $0x0  }
0xab: {  	s7 =	sshll.u32 s28, $0x1;
	[dreg:$0x2] =	wrdreg s6  }
0xac: {  	[dreg:$0x3] =	wrdreg s7  }
0xad: {  	[dreg:$0x4] =	wrdreg $0xC0  }
0xae: {  	_ =	task [dreg:s10], $0x5FFFF  }
0xaf: {  	[dreg:$0x1] =	wrdreg $0xFFFFFFFF  }
0xb0: {  	[dreg:$0x0] =	wrdreg $0x60  }
0xb1: {  	[dreg:$0x2] =	wrdreg s2  }
0xb2: {  	[dreg:$0x3] =	wrdreg s19  }
0xb3: {  	[dreg:$0x4] =	wrdreg s4  }
0xb4: {  	[dreg:$0x5] =	wrdreg s5  }
0xb5: {  	[dreg:$0x6] =	wrdreg $0x9  }
0xb6: {  	_ =	task.clear_ibuf [dreg:s10], $0x7FFFF;
	_ =	strace $0x90000046  }
0xb7: {  	s29 =	simm.s32 $0x9;
	_ =	strace $0x80000048  }
0xb8: {  	_ =	swait.ge [sflag:s29], $0x1  }
0xb9: {  	[sflag:s29] =	ssyncadd.s32 $0xFFFFFFFF  }
0xba: {  	_ =	strace $0x90000048  }
0xbb: {  	_ =	sfence  }
0xbc: {  	s30 =	sld [smem:$0x0];
	_ =	sdelay $0x2  }
0xbd: {  	s31 =	sshll.u32 s1, $0xD;
	s1 =	sshrl.u32 s1, $0x2  }
0xbe: {  	s3 =	sand.u32 $0x4000, s31;
	s1 =	sadd.s32 s1, s30  }
0xbf: {  	s0 =	sor.u32 s3, s0;
	s1 =	sshll.u32 s1, $0x11  }
0xc0: {  	s0 =	sor.u32 s1, s0  }
0xc1: {  	s0 =	sadd.s32 $0x8F2B, s0  }
0xc2: {  	[sflag:s0] =	ssyncadd.remote.s32 $0x1  }
0xc3: {  	_ =	sfence.sel $0xFFFF  }
0xc4: {  	[dreg:$0x0] =	wrdreg $0xFFFFFFFF;
	(pc) =	sbr.abs _section_cstart, $3  }
0xc5: {  	[dreg:$0x1] =	wrdreg $0xFFFFFFFF  }
0xc6: {  	_ =	task.clear_ibuf [dreg:s10], $0x2FFFF;
	_ =	strace $0x9FFFFFFF  }
0xc7: {  	(tm) =	ssettm $0x7FFFFFFF  }
tec
execute0_lowered:
.L_overlay_start_1:
0x0: {  	(tag) =	ssettag $0x1  }
0x1: {  	s6 =	rddreg [dreg:$0x0]  }
0x2: {  	s1 =	rddreg [dreg:$0x1]  }
0x3: {  	s2 =	rddreg [dreg:$0x2];
	v0 =	vlaneseq.u32  }
0x4: {  	s3 =	rddreg [dreg:$0x3];
	v0 =	vmul.u32 $0x80, v0  }
0x5: {  	s4 =	srdreg.scid;
	s0 =	rddreg [dreg:$0x4];
	s5 =	simm.s32 $0x0  }
0x6: {  	v1 =	vimm.s32 $0x0;
	s14 =	simm.s32 $0x9;
	s15 =	simm.s32 $0xA;
	s16 =	simm.s32 $0xB;
	v2 =	vor.u32 $0x800, v0  }
0x7: {  	s17 =	simm.s32 $0xC;
	s18 =	simm.s32 $0x7;
	s19 =	simm.s32 $0x8;
	v3 =	vor.u32 $0x1000, v0;
	v4 =	vor.u32 $0x1800, v0;
	v5 =	vor.u32 $0x2000, v0  }
0x8: {  	s20 =	simm.s32 $0x0;
	s8 =	sand.u32 $0x1, s4;
	s4 =	stileid.u32;
	v6 =	vor.u32 $0x2800, v0;
	v7 =	vor.u32 $0x3000, v0;
	v8 =	vor.u32 $0x3800, v0  }
0x9: {  	[smem:$0x7FF] =	sst s5;
	s7 =	ssub.s32 $0x2, s8;
	s10 =	sshll.u32 s4, $0x1;
	v9 =	vor.u32 $0x1, v0;
	v10 =	vor.u32 $0x801, v0;
	v11 =	vor.u32 $0x1001, v0  }
0xa: {  	_ =	strace $0x80000047;
	s29 =	sshll.u32 s4, $0x3;
	s12 =	sshll.u32 s8, $0x2;
	v12 =	vor.u32 $0x1801, v0;
	v13 =	vor.u32 $0x2001, v0;
	v14 =	vor.u32 $0x2801, v0  }
0xb: {  	s30 =	sshll.u32 s4, $0x14;
	s13 =	sshll.u32 s8, $0x13;
	s9 =	sshrl.u32 s7, $0x1;
	v15 =	vor.u32 $0x3001, v0;
	v16 =	vor.u32 $0x3801, v0;
	v17 =	vor.u32 $0x2, v0  }
0xc: {  	s11 =	sor.u32 s8, s10;
	s10 =	sor.u32 s12, s29;
	s31 =	sor.u32 s13, s30;
	v18 =	vor.u32 $0x802, v0;
	v19 =	vor.u32 $0x1002, v0;
	v20 =	vor.u32 $0x1802, v0  }
0xd: {  	v21 =	vor.u32 $0x2002, v0;
	v22 =	vor.u32 $0x2802, v0;
	v23 =	vor.u32 $0x3002, v0;
	s12 =	simm.s32 $0xD;
	s13 =	simm.s32 $0x2200;
	s9 =	ssub.s32 s7, s9  }
0xe: {  	v24 =	vor.u32 $0x3802, v0;
	v25 =	vor.u32 $0x3, v0;
	v26 =	vor.u32 $0x803, v0;
	s28 =	sshll.u32 s11, $0x6;
	s7 =	sadd.s32 $0x200, s2;
	s10 =	smax.u32 s10, $0x1  }
0xf: {  	v27 =	vor.u32 $0x1003, v0;
	v28 =	vor.u32 $0x1803, v0;
	v29 =	vor.u32 $0x2003, v0;
	p0 =	seq.s32 s11, $0x0;
	s11 =	simm.s32 $0x200;
	s6 =	sadd.s32 s6, s28  }
0x10: {  	v30 =	vor.u32 $0x2803, v0;
	v31 =	vor.u32 $0x3003, v0;
	v32 =	vor.u32 $0x3803, v0;
	s8 =	smax.u32 s9, $0x1;
	s9 =	sshll.u32 s10, $0x5;
	s10 =	sadd.s32 $0xFFFF4000, s31  }
.LBB2_1:
0x11: {  	[tilespmem:s11], [sflag:$0xD] =	stream.linear.gather [hbm4b:s1+s5], $0x2000, $0x38;
	[tilespmem:$0x1E200] =	vst v63  }
0x12: {  	_ =	swait.ge [sflag:s12], $0x2000  }
0x13: {  	[sflag:s12] =	ssyncset.done $0x0  }
.Ltmp0:
0x14: {  	[sflag:s12] =	ssyncadd.s32 $0xFFFFE000;
	(pc) =	sbr.rel @p0 .LBB2_5-.Ltmp0, $4  }
0x15: {  	[tilespmem:s5], [sflag:$0xD] =	stream.linear.gather [hbm4b:s6+s5], $0x200, $0x38;
	[tilespmem:$0x1E200] =	vst v63  }
0x16: {  	_ =	swait.ge [sflag:s12], $0x200  }
0x17: {  	v36 =	vimm.s32 $0x0;
	[sflag:s12] =	ssyncset.done $0x0  }
0x18: {  	v35 =	vimm.s32 $0x0;
	v34 =	vimm.s32 $0x0;
	v33 =	vimm.s32 $0x0;
	[sflag:s12] =	ssyncadd.s32 $0xFFFFFE00  }
0x19: {  	s21 =	sand.u32 $0xFFFFFF00, s5;
	s22 =	sshrl.u32 s5, $0x1  }
0x1a: {  	s21 =	sshra.s32 s21, $0x1;
	s22 =	sand.u32 $0x60, s22  }
0x1b: {  	s22 =	sor.u32 s22, s21  }
0x1c: {  	s21 =	sadd.s32 $0x20, s5;
	v37 =	vld [tilespmem:s22+$0x200]  }
0x1d: {  	v39 =	vld [tilespmem:s22+$0xA00];
	p1 =	sne.s32 s9, s21  }
.Ltmp1:
0x1e: {  	v40 =	vld [tilespmem:s22+$0x1200];
	(pc) =	sbr.rel @!p1 .LBB2_4-.Ltmp1, $3  }
0x1f: {  	v38 =	vld [tilespmem:s22+$0x1A00];
	_ =	sdelay $0x1  }
0x20: {  	v36 =	vimm.s32 $0x0;
	v33 =	vimm.s32 $0x0  }
0x21: {  	v34 =	vimm.s32 $0x0;
	v35 =	vimm.s32 $0x0;
	s22 =	sadd.s32 $0x40, s5;
	v41 =	vand.u32 $0xFFFF, v37  }
.LBB2_3:
0x22: {  	s23 =	sand.u32 $0xFFFFFF00, s21;
	s24 =	sshrl.u32 s22, $0x1;
	vm0 =	vgt.u32 v37, $0xFFFF;
	v42 =	vand.u32 $0xFFFF, v39;
	vm1 =	vgt.u32 v39, $0xFFFF  }
0x23: {  	v39 =	vand.u32 $0xFFFF, v40;
	vm2 =	vgt.u32 v40, $0xFFFF;
	s23 =	sshra.s32 s23, $0x1;
	s24 =	sand.u32 $0x60, s24;
	v40 =	vand.u32 $0xFFFF, v38  }
0x24: {  	vm3 =	vne.s32 v41, $0x0;
	v41 =	vsel vm0, $0x1, v1;
	vm0 =	vgt.u32 v38, $0xFFFF;
	s23 =	sor.u32 s24, s23  }
0x25: {  	s21 =	sadd.s32 $0x20, s21;
	vm4 =	vne.s32 v42, $0x0;
	v42 =	vsel vm1, $0x1, v1;
	vm1 =	vne.s32 v39, $0x0;
	v37 =	vld [tilespmem:s23+$0x200]  }
0x26: {  	v43 =	vsel vm2, $0x1, v1;
	p1 =	sne.s32 s9, s21;
	vm2 =	vne.s32 v40, $0x0;
	v44 =	vsel vm0, $0x1, v1;
	v39 =	vld [tilespmem:s23+$0xA00]  }
.Ltmp2:
0x27: {  	v45 =	vsel vm3, $0x1, v1;
	v36 =	vadd.s32 v41, v36;
	v41 =	vsel vm4, $0x1, v1;
	v40 =	vld [tilespmem:s23+$0x1200];
	(pc) =	sbr.rel @p1 .LBB2_3-.Ltmp2, $4  }
0x28: {  	v36 =	vadd.s32 v45, v36;
	v45 =	vsel vm1, $0x1, v1;
	v46 =	vsel vm2, $0x1, v1;
	v38 =	vld [tilespmem:s23+$0x1A00]  }
0x29: {  	v33 =	vadd.s32 v42, v33;
	v34 =	vadd.s32 v43, v34;
	v35 =	vadd.s32 v44, v35  }
0x2a: {  	v33 =	vadd.s32 v41, v33;
	v34 =	vadd.s32 v45, v34;
	v35 =	vadd.s32 v46, v35  }
0x2b: {  	s22 =	sadd.s32 $0x40, s22;
	v41 =	vand.u32 $0xFFFF, v37  }
.LBB2_4:
0x2c: {  	vm0 =	vgt.u32 v37, $0xFFFF;
	v53 =	vand.u32 $0xFFFF, v39;
	vm1 =	vgt.u32 v39, $0xFFFF  }
0x2d: {  	v54 =	vand.u32 $0xFFFF, v40;
	vm2 =	vgt.u32 v40, $0xFFFF;
	vm3 =	vne.s32 v41, $0x0  }
0x2e: {  	v55 =	vand.u32 $0xFFFF, v38;
	v56 =	vsel vm0, $0x1, v1;
	vm13 =	vgt.u32 v38, $0xFFFF  }
0x2f: {  	vm4 =	vne.s32 v53, $0x0;
	v57 =	vsel vm1, $0x1, v1;
	vm14 =	vne.s32 v54, $0x0  }
0x30: {  	v58 =	vsel vm2, $0x1, v1;
	v60 =	vsel vm3, $0x1, v1;
	vm15 =	vne.s32 v55, $0x0  }
0x31: {  	v59 =	vsel vm13, $0x1, v1;
	v36 =	vadd.s32 v56, v36;
	v61 =	vsel vm4, $0x1, v1  }
0x32: {  	v62 =	vsel vm14, $0x1, v1;
	v33 =	vadd.s32 v57, v33;
	v34 =	vadd.s32 v58, v34  }
0x33: {  	v36 =	vadd.s32 v60, v36;
	v42 =	vsel vm15, $0x1, v1;
	v63 =	vadd.s32 v59, v35  }
0x34: {  	v35 =	vadd.s32 v61, v33;
	v34 =	vadd.s32 v62, v34;
	v33 =	vadd.s32 v42, v63  }
.LBB2_5:
0x35: {  	v37 =	vld [tilespmem:$0x0];
	_ =	sdelay $0x4  }
0x36: {  	(xrf0) =	vadd.scan.msk.s32 $0xffff, v36;
	vm0 =	vne.s32 v37, $0x0  }
0x37: {  	v48 =	vsel vm0, $0x1, v1  }
0x38: {  	(xrf0) =	vadd.scan.msk.s32 $0xffff, v48;
	_ =	sdelay $0x3  }
0x39: {  	v49, _, _ =	vpop (xrf0)  }
0x3a: {  	v50 =	vbroadcast v49, $0xF  }
0x3b: {  	(v2sf) =	vpush v49, $0xF;
	v51, _, _ =	vpop (xrf0)  }
0x3c: {  	v37 =	vadd.s32 v50, v51;
	(v2sf) =	vpush v51, $0xF  }
0x3d: {  	v52 =	vnsel vm0, $0x0, v37  }
0x3e: {  	[tilespmem:v0+s13+$0x0] =	vst.idx.msk $0xffff, v52  }
0x3f: {  	v36 =	vld [tilespmem:$0x10];
	_ =	sdelay $0x4  }
0x40: {  	vm9 =	vne.s32 v36, $0x0  }
0x41: {  	v36 =	vsel vm9, $0x1, v1  }
0x42: {  	(xrf0) =	vadd.scan.msk.s32 $0xffff, v36;
	_ =	sdelay $0x3  }
0x43: {  	s21 =	spop (v2sf)  }
0x44: {  	s22 =	spop (v2sf)  }
0x45: {  	s21 =	sadd.s32 s21, s22;
	v36, _, _ =	vpop (xrf0)  }
0x46: {  	v53 =	vadd.s32 s21, v36;
	(v2sf) =	vpush v36, $0xF  }
0x47: {  	v54 =	vnsel vm9, $0x0, v53  }
0x48: {  	[tilespmem:v2+s13+$0x0] =	vst.idx.msk $0xffff, v54  }
0x49: {  	v36 =	vld [tilespmem:$0x20];
	_ =	sdelay $0x4  }
0x4a: {  	vm10 =	vne.s32 v36, $0x0  }
0x4b: {  	v36 =	vsel vm10, $0x1, v1  }
0x4c: {  	(xrf0) =	vadd.scan.msk.s32 $0xffff, v36;
	_ =	sdelay $0x4  }
0x4d: {  	s25 =	spop (v2sf)  }
0x4e: {  	s21 =	sadd.s32 s21, s25;
	v36, _, _ =	vpop (xrf0)  }
0x4f: {  	v55 =	vadd.s32 s21, v36;
	(v2sf) =	vpush v36, $0xF  }
0x50: {  	v56 =	vnsel vm10, $0x0, v55  }
0x51: {  	[tilespmem:v3+s13+$0x0] =	vst.idx.msk $0xffff, v56  }
0x52: {  	v36 =	vld [tilespmem:$0x30];
	_ =	sdelay $0x4  }
0x53: {  	vm11 =	vne.s32 v36, $0x0  }
0x54: {  	v36 =	vsel vm11, $0x1, v1  }
0x55: {  	(xrf0) =	vadd.scan.msk.s32 $0xffff, v36;
	_ =	sdelay $0x4  }
0x56: {  	s26 =	spop (v2sf)  }
0x57: {  	s21 =	sadd.s32 s21, s26;
	v36, _, _ =	vpop (xrf0)  }
0x58: {  	v57 =	vadd.s32 s21, v36;
	(v2sf) =	vpush v36, $0xF  }
0x59: {  	v58 =	vnsel vm11, $0x0, v57  }
0x5a: {  	[tilespmem:v4+s13+$0x0] =	vst.idx.msk $0xffff, v58  }
0x5b: {  	v36 =	vld [tilespmem:$0x40];
	_ =	sdelay $0x4  }
0x5c: {  	vm12 =	vne.s32 v36, $0x0  }
0x5d: {  	v36 =	vsel vm12, $0x1, v1  }
0x5e: {  	(xrf0) =	vadd.scan.msk.s32 $0xffff, v36;
	_ =	sdelay $0x4  }
0x5f: {  	s28 =	spop (v2sf)  }
0x60: {  	s21 =	sadd.s32 s21, s28;
	v36, _, _ =	vpop (xrf0)  }
0x61: {  	v59 =	vadd.s32 s21, v36;
	(v2sf) =	vpush v36, $0xF  }
0x62: {  	v60 =	vnsel vm12, $0x0, v59  }
0x63: {  	[tilespmem:v5+s13+$0x0] =	vst.idx.msk $0xffff, v60  }
0x64: {  	v36 =	vld [tilespmem:$0x50];
	_ =	sdelay $0x4  }
0x65: {  	vm13 =	vne.s32 v36, $0x0  }
0x66: {  	v36 =	vsel vm13, $0x1, v1  }
0x67: {  	(xrf0) =	vadd.scan.msk.s32 $0xffff, v36;
	_ =	sdelay $0x4  }
0x68: {  	s29 =	spop (v2sf)  }
0x69: {  	s21 =	sadd.s32 s21, s29;
	v36, _, _ =	vpop (xrf0)  }
0x6a: {  	v61 =	vadd.s32 s21, v36;
	(v2sf) =	vpush v36, $0xF  }
0x6b: {  	v62 =	vnsel vm13, $0x0, v61  }
0x6c: {  	[tilespmem:v6+s13+$0x0] =	vst.idx.msk $0xffff, v62  }
0x6d: {  	v36 =	vld [tilespmem:$0x60];
	_ =	sdelay $0x4  }
0x6e: {  	vm14 =	vne.s32 v36, $0x0  }
0x6f: {  	v36 =	vsel vm14, $0x1, v1  }
0x70: {  	(xrf0) =	vadd.scan.msk.s32 $0xffff, v36;
	_ =	sdelay $0x4  }
0x71: {  	s30 =	spop (v2sf)  }
0x72: {  	s21 =	sadd.s32 s21, s30;
	v36, _, _ =	vpop (xrf0)  }
0x73: {  	v63 =	vadd.s32 s21, v36;
	(v2sf) =	vpush v36, $0xF  }
0x74: {  	v40 =	vnsel vm14, $0x0, v63  }
0x75: {  	[tilespmem:v7+s13+$0x0] =	vst.idx.msk $0xffff, v40  }
0x76: {  	v36 =	vld [tilespmem:$0x70];
	_ =	sdelay $0x4  }
0x77: {  	vm15 =	vne.s32 v36, $0x0  }
0x78: {  	v36 =	vsel vm15, $0x1, v1  }
0x79: {  	(xrf0) =	vadd.scan.msk.s32 $0xffff, v36;
	_ =	sdelay $0x4  }
0x7a: {  	s31 =	spop (v2sf)  }
0x7b: {  	s21 =	sadd.s32 s21, s31;
	v36, _, _ =	vpop (xrf0)  }
0x7c: {  	v36 =	vadd.s32 s21, v36  }
0x7d: {  	v36 =	vnsel vm15, $0x0, v36  }
0x7e: {  	[tilespmem:v8+s13+$0x0] =	vst.idx.msk $0xffff, v36  }
0x7f: {  	v36 =	vld [tilespmem:$0x80];
	_ =	sdelay $0x4  }
0x80: {  	(xrf0) =	vadd.scan.msk.s32 $0xffff, v35;
	vm4 =	vne.s32 v36, $0x0  }
0x81: {  	v41 =	vsel vm4, $0x1, v1  }
0x82: {  	(xrf0) =	vadd.scan.msk.s32 $0xffff, v41;
	_ =	sdelay $0x3  }
0x83: {  	v42, _, _ =	vpop (xrf0)  }
0x84: {  	v43 =	vbroadcast v42, $0xF  }
0x85: {  	(v2sf) =	vpush v42, $0xF;
	v44, _, _ =	vpop (xrf0)  }
0x86: {  	v36 =	vadd.s32 v43, v44;
	(v2sf) =	vpush v44, $0xF  }
0x87: {  	v45 =	vnsel vm4, $0x0, v36  }
0x88: {  	[tilespmem:v9+s13+$0x0] =	vst.idx.msk $0xffff, v45  }
0x89: {  	v35 =	vld [tilespmem:$0x90];
	_ =	sdelay $0x4  }
0x8a: {  	vm5 =	vne.s32 v35, $0x0  }
0x8b: {  	v35 =	vsel vm5, $0x1, v1  }
0x8c: {  	(xrf0) =	vadd.scan.msk.s32 $0xffff, v35;
	_ =	sdelay $0x3  }
0x8d: {  	s23 =	spop (v2sf)  }
0x8e: {  	s24 =	spop (v2sf)  }
0x8f: {  	s21 =	sadd.s32 s23, s24;
	v35, _, _ =	vpop (xrf0)  }
0x90: {  	v46 =	vadd.s32 s21, v35;
	(v2sf) =	vpush v35, $0xF  }
0x91: {  	v47 =	vnsel vm5, $0x0, v46  }
0x92: {  	[tilespmem:v10+s13+$0x0] =	vst.idx.msk $0xffff, v47  }
0x93: {  	v35 =	vld [tilespmem:$0xA0];
	_ =	sdelay $0x4  }
0x94: {  	vm6 =	vne.s32 v35, $0x0  }
0x95: {  	v35 =	vsel vm6, $0x1, v1  }
0x96: {  	(xrf0) =	vadd.scan.msk.s32 $0xffff, v35;
	_ =	sdelay $0x4  }
0x97: {  	s25 =	spop (v2sf)  }
0x98: {  	s21 =	sadd.s32 s21, s25;
	v35, _, _ =	vpop (xrf0)  }
0x99: {  	v48 =	vadd.s32 s21, v35;
	(v2sf) =	vpush v35, $0xF  }
0x9a: {  	v49 =	vnsel vm6, $0x0, v48  }
0x9b: {  	[tilespmem:v11+s13+$0x0] =	vst.idx.msk $0xffff, v49  }
0x9c: {  	v35 =	vld [tilespmem:$0xB0];
	_ =	sdelay $0x4  }
0x9d: {  	vm7 =	vne.s32 v35, $0x0  }
0x9e: {  	v35 =	vsel vm7, $0x1, v1  }
0x9f: {  	(xrf0) =	vadd.scan.msk.s32 $0xffff, v35;
	_ =	sdelay $0x4  }
0xa0: {  	s26 =	spop (v2sf)  }
0xa1: {  	s21 =	sadd.s32 s21, s26;
	v35, _, _ =	vpop (xrf0)  }
0xa2: {  	v50 =	vadd.s32 s21, v35;
	(v2sf) =	vpush v35, $0xF  }
0xa3: {  	v51 =	vnsel vm7, $0x0, v50  }
0xa4: {  	[tilespmem:v12+s13+$0x0] =	vst.idx.msk $0xffff, v51  }
0xa5: {  	v35 =	vld [tilespmem:$0xC0];
	_ =	sdelay $0x4  }
0xa6: {  	vm8 =	vne.s32 v35, $0x0  }
0xa7: {  	v35 =	vsel vm8, $0x1, v1  }
0xa8: {  	(xrf0) =	vadd.scan.msk.s32 $0xffff, v35;
	_ =	sdelay $0x4  }
0xa9: {  	s28 =	spop (v2sf)  }
0xaa: {  	s21 =	sadd.s32 s21, s28;
	v35, _, _ =	vpop (xrf0)  }
0xab: {  	v52 =	vadd.s32 s21, v35;
	(v2sf) =	vpush v35, $0xF  }
0xac: {  	v53 =	vnsel vm8, $0x0, v52  }
0xad: {  	[tilespmem:v13+s13+$0x0] =	vst.idx.msk $0xffff, v53  }
0xae: {  	v35 =	vld [tilespmem:$0xD0];
	_ =	sdelay $0x4  }
0xaf: {  	vm9 =	vne.s32 v35, $0x0  }
0xb0: {  	v35 =	vsel vm9, $0x1, v1  }
0xb1: {  	(xrf0) =	vadd.scan.msk.s32 $0xffff, v35;
	_ =	sdelay $0x4  }
0xb2: {  	s29 =	spop (v2sf)  }
0xb3: {  	s21 =	sadd.s32 s21, s29;
	v35, _, _ =	vpop (xrf0)  }
0xb4: {  	v54 =	vadd.s32 s21, v35;
	(v2sf) =	vpush v35, $0xF  }
0xb5: {  	v55 =	vnsel vm9, $0x0, v54  }
0xb6: {  	[tilespmem:v14+s13+$0x0] =	vst.idx.msk $0xffff, v55  }
0xb7: {  	v35 =	vld [tilespmem:$0xE0];
	_ =	sdelay $0x4  }
0xb8: {  	vm10 =	vne.s32 v35, $0x0  }
0xb9: {  	v35 =	vsel vm10, $0x1, v1  }
0xba: {  	(xrf0) =	vadd.scan.msk.s32 $0xffff, v35;
	_ =	sdelay $0x4  }
0xbb: {  	s30 =	spop (v2sf)  }
0xbc: {  	s21 =	sadd.s32 s21, s30;
	v35, _, _ =	vpop (xrf0)  }
0xbd: {  	v56 =	vadd.s32 s21, v35;
	(v2sf) =	vpush v35, $0xF  }
0xbe: {  	v57 =	vnsel vm10, $0x0, v56  }
0xbf: {  	[tilespmem:v15+s13+$0x0] =	vst.idx.msk $0xffff, v57  }
0xc0: {  	v35 =	vld [tilespmem:$0xF0];
	_ =	sdelay $0x4  }
0xc1: {  	vm11 =	vne.s32 v35, $0x0  }
0xc2: {  	v35 =	vsel vm11, $0x1, v1  }
0xc3: {  	(xrf0) =	vadd.scan.msk.s32 $0xffff, v35;
	_ =	sdelay $0x4  }
0xc4: {  	s31 =	spop (v2sf)  }
0xc5: {  	s21 =	sadd.s32 s21, s31;
	v35, _, _ =	vpop (xrf0)  }
0xc6: {  	v35 =	vadd.s32 s21, v35  }
0xc7: {  	v35 =	vnsel vm11, $0x0, v35  }
0xc8: {  	[tilespmem:v16+s13+$0x0] =	vst.idx.msk $0xffff, v35  }
0xc9: {  	v35 =	vld [tilespmem:$0x100];
	_ =	sdelay $0x4  }
0xca: {  	(xrf0) =	vadd.scan.msk.s32 $0xffff, v34;
	vm12 =	vne.s32 v35, $0x0  }
0xcb: {  	v58 =	vsel vm12, $0x1, v1  }
0xcc: {  	(xrf0) =	vadd.scan.msk.s32 $0xffff, v58;
	_ =	sdelay $0x3  }
0xcd: {  	v59, _, _ =	vpop (xrf0)  }
0xce: {  	v60 =	vbroadcast v59, $0xF  }
0xcf: {  	(v2sf) =	vpush v59, $0xF;
	v61, _, _ =	vpop (xrf0)  }
0xd0: {  	v35 =	vadd.s32 v60, v61;
	(v2sf) =	vpush v61, $0xF  }
0xd1: {  	v62 =	vnsel vm12, $0x0, v35  }
0xd2: {  	[tilespmem:v17+s13+$0x0] =	vst.idx.msk $0xffff, v62  }
0xd3: {  	v34 =	vld [tilespmem:$0x110];
	_ =	sdelay $0x4  }
0xd4: {  	vm13 =	vne.s32 v34, $0x0  }
0xd5: {  	v34 =	vsel vm13, $0x1, v1  }
0xd6: {  	(xrf0) =	vadd.scan.msk.s32 $0xffff, v34;
	_ =	sdelay $0x3  }
0xd7: {  	s23 =	spop (v2sf)  }
0xd8: {  	s24 =	spop (v2sf)  }
0xd9: {  	s21 =	sadd.s32 s23, s24;
	v34, _, _ =	vpop (xrf0)  }
0xda: {  	v63 =	vadd.s32 s21, v34;
	(v2sf) =	vpush v34, $0xF  }
0xdb: {  	v36 =	vnsel vm13, $0x0, v63  }
0xdc: {  	[tilespmem:v18+s13+$0x0] =	vst.idx.msk $0xffff, v36  }
0xdd: {  	v34 =	vld [tilespmem:$0x120];
	_ =	sdelay $0x4  }
0xde: {  	vm14 =	vne.s32 v34, $0x0  }
0xdf: {  	v34 =	vsel vm14, $0x1, v1  }
0xe0: {  	(xrf0) =	vadd.scan.msk.s32 $0xffff, v34;
	_ =	sdelay $0x4  }
0xe1: {  	s25 =	spop (v2sf)  }
0xe2: {  	s21 =	sadd.s32 s21, s25;
	v34, _, _ =	vpop (xrf0)  }
0xe3: {  	v37 =	vadd.s32 s21, v34;
	(v2sf) =	vpush v34, $0xF  }
0xe4: {  	v38 =	vnsel vm14, $0x0, v37  }
0xe5: {  	[tilespmem:v19+s13+$0x0] =	vst.idx.msk $0xffff, v38  }
0xe6: {  	v34 =	vld [tilespmem:$0x130];
	_ =	sdelay $0x4  }
0xe7: {  	vm15 =	vne.s32 v34, $0x0  }
0xe8: {  	v34 =	vsel vm15, $0x1, v1  }
0xe9: {  	(xrf0) =	vadd.scan.msk.s32 $0xffff, v34;
	_ =	sdelay $0x4  }
0xea: {  	s26 =	spop (v2sf)  }
0xeb: {  	s21 =	sadd.s32 s21, s26;
	v34, _, _ =	vpop (xrf0)  }
0xec: {  	v39 =	vadd.s32 s21, v34;
	(v2sf) =	vpush v34, $0xF  }
0xed: {  	v40 =	vnsel vm15, $0x0, v39  }
0xee: {  	[tilespmem:v20+s13+$0x0] =	vst.idx.msk $0xffff, v40  }
0xef: {  	v34 =	vld [tilespmem:$0x140];
	_ =	sdelay $0x4  }
0xf0: {  	vm4 =	vne.s32 v34, $0x0  }
0xf1: {  	v34 =	vsel vm4, $0x1, v1  }
0xf2: {  	(xrf0) =	vadd.scan.msk.s32 $0xffff, v34;
	_ =	sdelay $0x4  }
0xf3: {  	s28 =	spop (v2sf)  }
0xf4: {  	s21 =	sadd.s32 s21, s28;
	v34, _, _ =	vpop (xrf0)  }
0xf5: {  	v41 =	vadd.s32 s21, v34;
	(v2sf) =	vpush v34, $0xF  }
0xf6: {  	v42 =	vnsel vm4, $0x0, v41  }
0xf7: {  	[tilespmem:v21+s13+$0x0] =	vst.idx.msk $0xffff, v42  }
0xf8: {  	v34 =	vld [tilespmem:$0x150];
	_ =	sdelay $0x4  }
0xf9: {  	vm5 =	vne.s32 v34, $0x0  }
0xfa: {  	v34 =	vsel vm5, $0x1, v1  }
0xfb: {  	(xrf0) =	vadd.scan.msk.s32 $0xffff, v34;
	_ =	sdelay $0x4  }
0xfc: {  	s29 =	spop (v2sf)  }
0xfd: {  	s21 =	sadd.s32 s21, s29;
	v34, _, _ =	vpop (xrf0)  }
0xfe: {  	v43 =	vadd.s32 s21, v34;
	(v2sf) =	vpush v34, $0xF  }
0xff: {  	v44 =	vnsel vm5, $0x0, v43  }
0x100: {  	[tilespmem:v22+s13+$0x0] =	vst.idx.msk $0xffff, v44  }
0x101: {  	v34 =	vld [tilespmem:$0x160];
	_ =	sdelay $0x4  }
0x102: {  	vm6 =	vne.s32 v34, $0x0  }
0x103: {  	v34 =	vsel vm6, $0x1, v1  }
0x104: {  	(xrf0) =	vadd.scan.msk.s32 $0xffff, v34;
	_ =	sdelay $0x4  }
0x105: {  	s30 =	spop (v2sf)  }
0x106: {  	s21 =	sadd.s32 s21, s30;
	v34, _, _ =	vpop (xrf0)  }
0x107: {  	v45 =	vadd.s32 s21, v34;
	(v2sf) =	vpush v34, $0xF  }
0x108: {  	v46 =	vnsel vm6, $0x0, v45  }
0x109: {  	[tilespmem:v23+s13+$0x0] =	vst.idx.msk $0xffff, v46  }
0x10a: {  	v34 =	vld [tilespmem:$0x170];
	_ =	sdelay $0x4  }
0x10b: {  	vm7 =	vne.s32 v34, $0x0  }
0x10c: {  	v34 =	vsel vm7, $0x1, v1  }
0x10d: {  	(xrf0) =	vadd.scan.msk.s32 $0xffff, v34;
	_ =	sdelay $0x4  }
0x10e: {  	s31 =	spop (v2sf)  }
0x10f: {  	s21 =	sadd.s32 s21, s31;
	v34, _, _ =	vpop (xrf0)  }
0x110: {  	v34 =	vadd.s32 s21, v34  }
0x111: {  	v34 =	vnsel vm7, $0x0, v34  }
0x112: {  	[tilespmem:v24+s13+$0x0] =	vst.idx.msk $0xffff, v34  }
0x113: {  	v34 =	vld [tilespmem:$0x180];
	_ =	sdelay $0x4  }
0x114: {  	(xrf0) =	vadd.scan.msk.s32 $0xffff, v33;
	vm8 =	vne.s32 v34, $0x0  }
0x115: {  	v47 =	vsel vm8, $0x1, v1  }
0x116: {  	(xrf0) =	vadd.scan.msk.s32 $0xffff, v47;
	_ =	sdelay $0x3  }
0x117: {  	v48, _, _ =	vpop (xrf0)  }
0x118: {  	v49 =	vbroadcast v48, $0xF  }
0x119: {  	(v2sf) =	vpush v48, $0xF;
	v50, _, _ =	vpop (xrf0)  }
0x11a: {  	v34 =	vadd.s32 v49, v50;
	(v2sf) =	vpush v50, $0xF  }
0x11b: {  	v51 =	vnsel vm8, $0x0, v34  }
0x11c: {  	[tilespmem:v25+s13+$0x0] =	vst.idx.msk $0xffff, v51  }
0x11d: {  	v33 =	vld [tilespmem:$0x190];
	_ =	sdelay $0x4  }
0x11e: {  	vm9 =	vne.s32 v33, $0x0  }
0x11f: {  	v33 =	vsel vm9, $0x1, v1  }
0x120: {  	(xrf0) =	vadd.scan.msk.s32 $0xffff, v33;
	_ =	sdelay $0x3  }
0x121: {  	s23 =	spop (v2sf)  }
0x122: {  	s24 =	spop (v2sf)  }
0x123: {  	s21 =	sadd.s32 s23, s24;
	v33, _, _ =	vpop (xrf0)  }
0x124: {  	v52 =	vadd.s32 s21, v33;
	(v2sf) =	vpush v33, $0xF  }
0x125: {  	v53 =	vnsel vm9, $0x0, v52  }
0x126: {  	[tilespmem:v26+s13+$0x0] =	vst.idx.msk $0xffff, v53  }
0x127: {  	v33 =	vld [tilespmem:$0x1A0];
	_ =	sdelay $0x4  }
0x128: {  	vm10 =	vne.s32 v33, $0x0  }
0x129: {  	v33 =	vsel vm10, $0x1, v1  }
0x12a: {  	(xrf0) =	vadd.scan.msk.s32 $0xffff, v33;
	_ =	sdelay $0x4  }
0x12b: {  	s25 =	spop (v2sf)  }
0x12c: {  	s21 =	sadd.s32 s21, s25;
	v33, _, _ =	vpop (xrf0)  }
0x12d: {  	v54 =	vadd.s32 s21, v33;
	(v2sf) =	vpush v33, $0xF  }
0x12e: {  	v55 =	vnsel vm10, $0x0, v54  }
0x12f: {  	[tilespmem:v27+s13+$0x0] =	vst.idx.msk $0xffff, v55  }
0x130: {  	v33 =	vld [tilespmem:$0x1B0];
	_ =	sdelay $0x4  }
0x131: {  	vm11 =	vne.s32 v33, $0x0  }
0x132: {  	v33 =	vsel vm11, $0x1, v1  }
0x133: {  	(xrf0) =	vadd.scan.msk.s32 $0xffff, v33;
	_ =	sdelay $0x4  }
0x134: {  	s26 =	spop (v2sf)  }
0x135: {  	s21 =	sadd.s32 s21, s26;
	v33, _, _ =	vpop (xrf0)  }
0x136: {  	v56 =	vadd.s32 s21, v33;
	(v2sf) =	vpush v33, $0xF  }
0x137: {  	v57 =	vnsel vm11, $0x0, v56  }
0x138: {  	[tilespmem:v28+s13+$0x0] =	vst.idx.msk $0xffff, v57  }
0x139: {  	v33 =	vld [tilespmem:$0x1C0];
	_ =	sdelay $0x4  }
0x13a: {  	vm12 =	vne.s32 v33, $0x0  }
0x13b: {  	v33 =	vsel vm12, $0x1, v1  }
0x13c: {  	(xrf0) =	vadd.scan.msk.s32 $0xffff, v33;
	_ =	sdelay $0x4  }
0x13d: {  	s28 =	spop (v2sf)  }
0x13e: {  	s21 =	sadd.s32 s21, s28;
	v33, _, _ =	vpop (xrf0)  }
0x13f: {  	v58 =	vadd.s32 s21, v33;
	(v2sf) =	vpush v33, $0xF  }
0x140: {  	v59 =	vnsel vm12, $0x0, v58  }
0x141: {  	[tilespmem:v29+s13+$0x0] =	vst.idx.msk $0xffff, v59  }
0x142: {  	v33 =	vld [tilespmem:$0x1D0];
	_ =	sdelay $0x4  }
0x143: {  	vm13 =	vne.s32 v33, $0x0  }
0x144: {  	v33 =	vsel vm13, $0x1, v1  }
0x145: {  	(xrf0) =	vadd.scan.msk.s32 $0xffff, v33;
	_ =	sdelay $0x4  }
0x146: {  	s29 =	spop (v2sf)  }
0x147: {  	s21 =	sadd.s32 s21, s29;
	v33, _, _ =	vpop (xrf0)  }
0x148: {  	v60 =	vadd.s32 s21, v33;
	(v2sf) =	vpush v33, $0xF  }
0x149: {  	v61 =	vnsel vm13, $0x0, v60  }
0x14a: {  	[tilespmem:v30+s13+$0x0] =	vst.idx.msk $0xffff, v61  }
0x14b: {  	v33 =	vld [tilespmem:$0x1E0];
	_ =	sdelay $0x4  }
0x14c: {  	vm14 =	vne.s32 v33, $0x0  }
0x14d: {  	v33 =	vsel vm14, $0x1, v1  }
0x14e: {  	(xrf0) =	vadd.scan.msk.s32 $0xffff, v33;
	_ =	sdelay $0x4  }
0x14f: {  	s30 =	spop (v2sf)  }
0x150: {  	s21 =	sadd.s32 s21, s30;
	v33, _, _ =	vpop (xrf0)  }
0x151: {  	v62 =	vadd.s32 s21, v33;
	(v2sf) =	vpush v33, $0xF  }
0x152: {  	v63 =	vnsel vm14, $0x0, v62  }
0x153: {  	[tilespmem:v31+s13+$0x0] =	vst.idx.msk $0xffff, v63  }
0x154: {  	v33 =	vld [tilespmem:$0x1F0];
	_ =	sdelay $0x4  }
0x155: {  	vm15 =	vne.s32 v33, $0x0  }
0x156: {  	v33 =	vsel vm15, $0x1, v1  }
0x157: {  	(xrf0) =	vadd.scan.msk.s32 $0xffff, v33;
	_ =	sdelay $0x4  }
0x158: {  	s31 =	spop (v2sf)  }
0x159: {  	s21 =	sadd.s32 s21, s31;
	v33, _, _ =	vpop (xrf0)  }
0x15a: {  	v33 =	vadd.s32 s21, v33  }
0x15b: {  	v33 =	vnsel vm15, $0x0, v33  }
0x15c: {  	s22 =	simm.s32 $0x2300;
	s23 =	smov.u32 s10;
	s21 =	simm.s32 $0xFFFFFFFD;
	[tilespmem:v32+s13+$0x0] =	vst.idx.msk $0xffff, v33  }
.LBB2_6:
0x15d: {  	s24 =	sadd.s32 $0x3, s21  }
0x15e: {  	p1 =	sgt.u32 s24, $0x1F  }
0x15f: {  	s25 =	smul.u32 @!p1 $0xAB, s24;
	_ =	sdelay $0x1  }
0x160: {  	s25 =	sshrl.u32 @!p1 s25, $0xA  }
0x161: {  	s25 =	sand.u32 @!p1 $0x3F, s25  }
0x162: {  	s25 =	smul.u32 @!p1 $0x6, s25;
	_ =	sdelay $0x1  }
0x163: {  	p2 =	slt.u32 @!p1 s24, $0x6;
	s25 =	ssub.s32 @!p1 s24, s25  }
0x164: {  	p2 =	por p2, p1;
	s25 =	sand.u32 @!p1 $0xFF, s25  }
0x165: {  	s26 =	sadd.s32 @!p2 $0x7, s25  }
0x166: {  	_ =	swait.ge @!p2 [sflag:s26], $0x4000  }
0x167: {  	[sflag:s26] =	ssyncset.done @!p2 $0x0  }
0x168: {  	[sflag:s26] =	ssyncadd.s32 @!p2 $0xFFFFC000  }
0x169: {  	v33 =	vld.msk @!p1 [tilespmem:s22+$0xFFFFFF00], $0xf;
	_ =	sdelay $0x4  }
0x16a: {  	v34 =	vshll.u32 @!p1 v33, $0x3  }
0x16b: {  	v35 =	vlaneseq.u32 @!p1;
	v33 =	vand.u32 @!p1 $0x7, v33;
	v34 =	vand.u32 @!p1 $0xFFFFFFC0, v34  }
0x16c: {  	v33 =	vor.u32 @!p1 v33, v34;
	v34 =	vand.u32 @!p1 $0x3, v35;
	v35 =	vshrl.u32 @!p1 v35, $0x2  }
0x16d: {  	v33 =	vperm.xlane @!p1 v33, v34;
	v35 =	vmul.u32 @!p1 $0x8, v35;
	_ =	sdelay $0x1  }
0x16e: {  	v33 =	vadd.s32 @!p1 v35, v33;
	_ =	sdelay $0x2  }
0x16f: {  	s26 =	sshll.u32 @!p1 s25, $0xE  }
0x170: {  	vm0 =	vmmov @!p1 $0xffff;
	s29 =	simm.s32 @!p1 $0x0;
	s25 =	sadd.s32 @!p1 $0x1, s25;
	s28 =	sadd.s32 @!p1 $0x6200, s26  }
0x171: {  	[tilespmem:s28], [sflag:s25] =	stream.indirect_vreg.gather @!p1 [hbm4b:s2+s29], $0x80, v33, vm0, $0xb8;
	[tilespmem:$0x1E200] =	vst v63  }
0x172: {  	s28 =	sadd.s32 @!p1 $0x6A00, s26  }
0x173: {  	[tilespmem:s28], [sflag:s25] =	stream.indirect_vreg.gather @!p1 [hbm4b:s7+s29], $0x80, v33, vm0, $0xb8;
	[tilespmem:$0x1E200] =	vst v63  }
0x174: {  	v33 =	vld.msk @!p1 [tilespmem:s22+$0xFFFFFF80], $0xf;
	_ =	sdelay $0x4  }
0x175: {  	v36 =	vshll.u32 @!p1 v33, $0x3  }
0x176: {  	v33 =	vand.u32 @!p1 $0x7, v33;
	v36 =	vand.u32 @!p1 $0xFFFFFFC0, v36  }
0x177: {  	v33 =	vor.u32 @!p1 v33, v36  }
0x178: {  	v33 =	vperm.xlane @!p1 v33, v34;
	_ =	sdelay $0x1  }
0x179: {  	v33 =	vadd.s32 @!p1 v35, v33;
	_ =	sdelay $0x3  }
0x17a: {  	s28 =	sadd.s32 @!p1 $0x7200, s26  }
0x17b: {  	[tilespmem:s28], [sflag:s25] =	stream.indirect_vreg.gather @!p1 [hbm4b:s2+s29], $0x80, v33, vm0, $0xb8;
	[tilespmem:$0x1E200] =	vst v63  }
0x17c: {  	s28 =	sadd.s32 @!p1 $0x7A00, s26  }
0x17d: {  	[tilespmem:s28], [sflag:s25] =	stream.indirect_vreg.gather @!p1 [hbm4b:s7+s29], $0x80, v33, vm0, $0xb8;
	[tilespmem:$0x1E200] =	vst v63  }
0x17e: {  	v33 =	vld.msk @!p1 [tilespmem:s22+$0x0], $0xf;
	_ =	sdelay $0x4  }
0x17f: {  	v36 =	vshll.u32 @!p1 v33, $0x3  }
0x180: {  	v33 =	vand.u32 @!p1 $0x7, v33;
	v36 =	vand.u32 @!p1 $0xFFFFFFC0, v36  }
0x181: {  	v33 =	vor.u32 @!p1 v33, v36  }
0x182: {  	v33 =	vperm.xlane @!p1 v33, v34;
	_ =	sdelay $0x1  }
0x183: {  	v33 =	vadd.s32 @!p1 v35, v33;
	_ =	sdelay $0x3  }
0x184: {  	s28 =	sadd.s32 @!p1 $0x8200, s26  }
0x185: {  	[tilespmem:s28], [sflag:s25] =	stream.indirect_vreg.gather @!p1 [hbm4b:s2+s29], $0x80, v33, vm0, $0xb8;
	[tilespmem:$0x1E200] =	vst v63  }
0x186: {  	s28 =	sadd.s32 @!p1 $0x8A00, s26  }
0x187: {  	[tilespmem:s28], [sflag:s25] =	stream.indirect_vreg.gather @!p1 [hbm4b:s7+s29], $0x80, v33, vm0, $0xb8;
	[tilespmem:$0x1E200] =	vst v63  }
0x188: {  	v33 =	vld.msk @!p1 [tilespmem:s22+$0x80], $0xf;
	_ =	sdelay $0x4  }
0x189: {  	v36 =	vshll.u32 @!p1 v33, $0x3  }
0x18a: {  	v33 =	vand.u32 @!p1 $0x7, v33;
	v36 =	vand.u32 @!p1 $0xFFFFFFC0, v36  }
0x18b: {  	v33 =	vor.u32 @!p1 v33, v36  }
0x18c: {  	v33 =	vperm.xlane @!p1 v33, v34;
	_ =	sdelay $0x1  }
0x18d: {  	v33 =	vadd.s32 @!p1 v35, v33;
	_ =	sdelay $0x3  }
0x18e: {  	s28 =	sadd.s32 @!p1 $0x9200, s26  }
0x18f: {  	[tilespmem:s28], [sflag:s25] =	stream.indirect_vreg.gather @!p1 [hbm4b:s2+s29], $0x80, v33, vm0, $0xb8;
	[tilespmem:$0x1E200] =	vst v63  }
0x190: {  	p2 =	slt.u32 @!p1 s24, $0x3;
	s26 =	sadd.s32 @!p1 $0x9A00, s26  }
0x191: {  	[tilespmem:s26], [sflag:s25] =	stream.indirect_vreg.gather @!p1 [hbm4b:s7+s29], $0x80, v33, vm0, $0xb8;
	[tilespmem:$0x1E200] =	vst v63  }
0x192: {  	p1 =	por p1, !p2  }
0x193: {  	s24 =	sand.u32 @p1 $0xFF, s21  }
0x194: {  	s24 =	smul.u32 @p1 $0xAB, s24;
	_ =	sdelay $0x1  }
0x195: {  	s24 =	sshrl.u32 @p1 s24, $0xA  }
0x196: {  	s24 =	smul.u32 @p1 $0x6, s24;
	_ =	sdelay $0x1  }
0x197: {  	s24 =	ssub.s32 @p1 s21, s24  }
0x198: {  	s24 =	sand.u32 @p1 $0xFF, s24  }
0x199: {  	s25 =	sadd.s32 @p1 $0x1, s24  }
0x19a: {  	_ =	swait.ge @p1 [sflag:s25], $0x1000  }
0x19b: {  	[sflag:s25] =	ssyncset.done @p1 $0x0  }
0x19c: {  	[sflag:s25] =	ssyncadd.s32 @p1 $0xFFFFF000  }
0x19d: {  	_ =	swait.ge @p1 [sflag:s25], $0x1000  }
0x19e: {  	[sflag:s25] =	ssyncset.done @p1 $0x0  }
0x19f: {  	[sflag:s25] =	ssyncadd.s32 @p1 $0xFFFFF000  }
0x1a0: {  	_ =	swait.ge @p1 [sflag:s25], $0x1000  }
0x1a1: {  	[sflag:s25] =	ssyncset.done @p1 $0x0  }
0x1a2: {  	[sflag:s25] =	ssyncadd.s32 @p1 $0xFFFFF000  }
0x1a3: {  	_ =	swait.ge @p1 [sflag:s25], $0x1000  }
0x1a4: {  	s26 =	sshrl.u32 @p1 s23, $0x3;
	[sflag:s25] =	ssyncset.done @p1 $0x0  }
0x1a5: {  	s26 =	sadd.s32 @p1 s3, s26;
	[sflag:s25] =	ssyncadd.s32 @p1 $0xFFFFF000;
	s25 =	sshll.u32 @p1 s24, $0xE  }
0x1a6: {  	s21 =	sadd.s32 $0x1, s21;
	s24 =	sadd.s32 @p1 $0x7, s24;
	s25 =	sadd.s32 @p1 $0x6200, s25  }
0x1a7: {  	[hbm4b:s26+s5] =	stream.linear.scatter @p1 [tilespmem:s25], [sflag:s24], $0x4000, $0x38;
	[tilespmem:$0x1E200] =	vst v63  }
0x1a8: {  	p1 =	sne.s32 s21, $0x20  }
.Ltmp3:
0x1a9: {  	_ = 	snop;
	(pc) =	sbr.rel @p1 .LBB2_6-.Ltmp3, $2  }
0x1aa: {  	_ =	sdelay $0x2  }
0x1ab: {  	s22 =	sadd.s32 $0x200, s22;
	s23 =	sadd.s32 $0x4000, s23  }
0x1ac: {  	_ =	swait.ge [sflag:s14], $0x4000  }
0x1ad: {  	[sflag:s14] =	ssyncset.done $0x0  }
0x1ae: {  	[sflag:s14] =	ssyncadd.s32 $0xFFFFC000  }
0x1af: {  	_ =	swait.ge [sflag:s15], $0x4000  }
0x1b0: {  	[sflag:s15] =	ssyncset.done $0x0  }
0x1b1: {  	[sflag:s15] =	ssyncadd.s32 $0xFFFFC000  }
0x1b2: {  	_ =	swait.ge [sflag:s16], $0x4000  }
0x1b3: {  	[sflag:s16] =	ssyncset.done $0x0  }
0x1b4: {  	[sflag:s16] =	ssyncadd.s32 $0xFFFFC000  }
0x1b5: {  	_ =	swait.ge [sflag:s17], $0x4000  }
0x1b6: {  	[sflag:s17] =	ssyncset.done $0x0  }
0x1b7: {  	s20 =	sadd.s32 $0x1, s20;
	[sflag:s17] =	ssyncadd.s32 $0xFFFFC000  }
0x1b8: {  	p1 =	sne.s32 s20, s8;
	_ =	swait.ge [sflag:s18], $0x4000  }
.Ltmp4:
0x1b9: {  	[sflag:s18] =	ssyncset.done $0x0;
	(pc) =	sbr.rel @p1 .LBB2_1-.Ltmp4, $4  }
0x1ba: {  	[sflag:s18] =	ssyncadd.s32 $0xFFFFC000  }
0x1bb: {  	_ =	swait.ge [sflag:s19], $0x4000  }
0x1bc: {  	[sflag:s19] =	ssyncset.done $0x0  }
0x1bd: {  	[sflag:s19] =	ssyncadd.s32 $0xFFFFC000  }
0x1be: {  	_ =	sfence.sel $0x180000  }
0x1bf: {  	[bflag:$0x0] =	sbarrier.arrive $0xFFFF  }
0x1c0: {  	p0 =	sne.s32 s4, $0x0;
	_ =	strace $0x90000047  }
0x1c1: {  	s0 =	sadd.s32 @!p0 $0x100000, s0;
	[bflag:$0x2] =	sbarrier.arrive $0xFFFF  }
0x1c2: {  	[sflag:s0] =	ssyncadd.tile.s32 @!p0 $0x1;
	_ =	shalt  }
.Lfunc_end2:
_tile_overlayer_lowered:
.L_overlay_start_2:
0x1c3: {  	(tag) =	ssettag $0x2  }
0x1c4: {  	s0 =	rddreg [dreg:$0x0];
	s2 =	stileid.u32  }
0x1c5: {  	s1 =	rddreg [dreg:$0x1];
	p0 =	sne.s32 s2, $0x0  }
0x1c6: {  	s3 =	rddreg [dreg:$0x2];
	[bflag:$0x3] =	sbarrier.arrive $0xFFFF;
	s2 =	simm.s32 @!p0 $0x1C0D  }
0x1c7: {  	[timem:s3], [sflag:s2] =	dma.local @!p0 [hbm:s0], s1  }
0x1c8: {  	s0 =	simm.s32 @!p0 $0xD  }
0x1c9: {  	_ =	swait.ge @!p0 [sflag:s0], s1  }
0x1ca: {  	s1 =	ssub.s32 @!p0 $0x0, s1;
	[sflag:s0] =	ssyncset.done @!p0 $0x0  }
0x1cb: {  	[sflag:s0] =	ssyncadd.s32 @!p0 s1  }
0x1cc: {  	[bflag:$0x3] =	sbarrier.arrive $0xFFFF  }
0x1cd: {  	_ =	shalt  }

</sc_bundles>
